<compile_context>
chip_gen: v7x
topology: tpu7x:2x2x1
jax: 0.10.2.dev20260603
libtpu: 0.0.44.dev20260713+nightly
codegen_flags: <defaults>
</compile_context>

<pallas_src>
import jax
import jax.numpy as jnp
import numpy as np
from jax.experimental import pallas as pl
from jax.experimental.pallas import tpu as pltpu

_B, _D, _S, _K = 4096, 256, 64, 64
_BB = 64
_R = _BB * _S


def _dot(x, w, prec=jax.lax.Precision.DEFAULT):
    return jax.lax.dot_general(
        x, w, (((1,), (0,)), ((), ())),
        precision=prec, preferred_element_type=jnp.float32)


def _dotT(x, w):
    return jax.lax.dot_general(
        x, w, (((1,), (1,)), ((), ())),
        precision=jax.lax.Precision.HIGHEST,
        preferred_element_type=jnp.float32)


def _body(wps_ref, wp_ref, hidden_ref, keys_ref, values_ref, wq_ref, bq_ref,
          wk_ref, bk_ref, wv_ref, bv_ref, wo_ref, bo_ref,
          read_ref, nk_ref, nv_ref, nptr_ref):
    h = hidden_ref[...]
    kb = keys_ref[...]
    vb = values_ref[...]
    wpi = wp_ref[...]

    seg_of_row = jax.lax.broadcasted_iota(jnp.int32, (_R, _BB), 0) // _S
    col = jax.lax.broadcasted_iota(jnp.int32, (_R, _BB), 1)
    E = (seg_of_row == col).astype(jnp.float32)
    seg_of_rowT = jax.lax.broadcasted_iota(jnp.int32, (_BB, _R), 1) // _S
    rowT = jax.lax.broadcasted_iota(jnp.int32, (_BB, _R), 0)
    ET = (seg_of_rowT == rowT).astype(jnp.float32)

    q = _dotT(h, wq_ref[...]) + bq_ref[...]
    q_e = _dot(E, q)
    logits = jnp.sum(kb * q_e, axis=1, keepdims=True)
    e = jnp.exp(logits * np.float32(1.0 / np.sqrt(_K)))
    seg_sum = _dot(ET, e)
    den = _dot(E, seg_sum)
    p = e / den
    readv = _dot(ET, p * vb)
    read_ref[...] = _dotT(readv, wo_ref[...]) + bo_ref[...]

    nk = _dotT(h, wk_ref[...]) + bk_ref[...]
    nv = _dotT(h, wv_ref[...]) + bv_ref[...]
    nk_ref[...] = kb
    nv_ref[...] = vb
    for i in range(_BB):
        base = i * _S + wps_ref[i, 0]
        nk_ref[pl.ds(base, 1), :] = nk[i:i + 1, :]
        nv_ref[pl.ds(base, 1), :] = nv[i:i + 1, :]
    nptr_ref[...] = (wpi + 1) % _S


def kernel(hidden, keys, values, write_ptr, Wq, bq, Wk, bk, Wv, bv, Wo, bo):
    nb = _B // _BB
    wp2 = write_ptr.astype(jnp.int32).reshape(_B, 1)
    keys2 = keys.reshape(_B * _S, _K)
    values2 = values.reshape(_B * _S, _D)
    full = lambda shp: pl.BlockSpec(shp, lambda i: (0,) * len(shp))
    out = pl.pallas_call(
        _body,
        grid=(nb,),
        in_specs=[
            pl.BlockSpec((_BB, 1), lambda i: (i, 0),
                         memory_space=pltpu.SMEM),
            pl.BlockSpec((_BB, 1), lambda i: (i, 0)),
            pl.BlockSpec((_BB, _D), lambda i: (i, 0)),
            pl.BlockSpec((_R, _K), lambda i: (i, 0)),
            pl.BlockSpec((_R, _D), lambda i: (i, 0)),
            full((_K, _D)), full((1, _K)),
            full((_K, _D)), full((1, _K)),
            full((_D, _D)), full((1, _D)),
            full((_D, _D)), full((1, _D)),
        ],
        out_specs=[
            pl.BlockSpec((_BB, _D), lambda i: (i, 0)),
            pl.BlockSpec((_R, _K), lambda i: (i, 0)),
            pl.BlockSpec((_R, _D), lambda i: (i, 0)),
            pl.BlockSpec((_BB, 1), lambda i: (i, 0)),
        ],
        out_shape=[
            jax.ShapeDtypeStruct((_B, _D), jnp.float32),
            jax.ShapeDtypeStruct((_B * _S, _K), jnp.float32),
            jax.ShapeDtypeStruct((_B * _S, _D), jnp.float32),
            jax.ShapeDtypeStruct((_B, 1), jnp.int32),
        ],
        compiler_params=pltpu.CompilerParams(
            dimension_semantics=("arbitrary",)),
    )(wp2, wp2, hidden, keys2, values2, Wq, bq.reshape(1, _K), Wk,
      bk.reshape(1, _K), Wv, bv.reshape(1, _D), Wo, bo.reshape(1, _D))
    read, nk2, nv2, nptr = out
    return (read, nk2.reshape(_B, _S, _K), nv2.reshape(_B, _S, _D),
            nptr.reshape(_B))

# --- scband reference (transcript-rebuilt; emitter-appended) ---
"""Pipeline reference for scband-kvmem-v7-65240553226484 (READ-ONLY COPY).

The authoritative reference and input builder live on the scoring server;
editing this copy changes nothing except your own understanding.
"""

import jax, jax.numpy as jnp
import numpy as np

B = 4096
D = 256   # memory_dim
S = 64    # num_slots
K = 64    # key_dim


def setup_inputs(seed: int = 0) -> dict:
    key = jax.random.key(seed)
    ks = jax.random.split(key, 8)
    hidden = jax.random.normal(ks[0], (B, D), dtype=jnp.float32)
    keys = jax.random.normal(ks[1], (B, S, K), dtype=jnp.float32)
    values = jax.random.normal(ks[2], (B, S, D), dtype=jnp.float32)
    write_ptr = jax.random.randint(ks[3], (B,), 0, S, dtype=jnp.int64) if jax.config.jax_enable_x64 else jax.random.randint(ks[3], (B,), 0, S).astype(jnp.int32)

    def lin(k, out_d, in_d):
        return jax.random.normal(k, (out_d, in_d), dtype=jnp.float32) / np.sqrt(in_d)

    Wq = lin(ks[4], K, D); bq = jnp.zeros((K,), jnp.float32)
    Wk = lin(ks[5], K, D); bk = jnp.zeros((K,), jnp.float32)
    Wv = lin(ks[6], D, D); bv = jnp.zeros((D,), jnp.float32)
    Wo = lin(ks[7], D, D); bo = jnp.zeros((D,), jnp.float32)
    return {"hidden": hidden, "keys": keys, "values": values, "write_ptr": write_ptr,
            "Wq": Wq, "bq": bq, "Wk": Wk, "bk": bk, "Wv": Wv, "bv": bv, "Wo": Wo, "bo": bo}


def reference(hidden, keys, values, write_ptr, Wq, bq, Wk, bk, Wv, bv, Wo, bo):
    # query/read path (attention over KV slots)
    query = hidden @ Wq.T + bq                                  # (B, K)
    attn = jnp.einsum('bk,bsk->bs', query, keys)                # (B, S)
    attn = jax.nn.softmax(attn / np.sqrt(K), axis=-1)
    read = jnp.einsum('bs,bsd->bd', attn, values)               # (B, D)
    read = read @ Wo.T + bo
    # write path (scatter-overwrite at write_ptr)
    new_key = hidden @ Wk.T + bk                                # (B, K)
    new_value = hidden @ Wv.T + bv                              # (B, D)
    b_idx = jnp.arange(hidden.shape[0])
    new_keys = keys.at[b_idx, write_ptr].set(new_key)
    new_values = values.at[b_idx, write_ptr].set(new_value)
    new_ptr = (write_ptr + 1) % S
    return (read, new_keys, new_values, new_ptr)

if __name__ == "__main__":
    import jax
    _d = setup_inputs()
    print(jax.jit(kernel)(*tuple(_d.values())))

</pallas_src>

<mosaic_0001>
module attributes {stable_mosaic.version = 14 : i64} {
  func.func @_body(%arg0: i32, %arg1: memref<64x1xi32, #tpu.memory_space<smem>>, %arg2: memref<64x1xi32, #tpu.memory_space<vmem>>, %arg3: memref<64x256xf32, #tpu.memory_space<vmem>>, %arg4: memref<4096x64xf32, #tpu.memory_space<vmem>>, %arg5: memref<4096x256xf32, #tpu.memory_space<vmem>>, %arg6: memref<64x256xf32, #tpu.memory_space<vmem>>, %arg7: memref<1x64xf32, #tpu.memory_space<vmem>>, %arg8: memref<64x256xf32, #tpu.memory_space<vmem>>, %arg9: memref<1x64xf32, #tpu.memory_space<vmem>>, %arg10: memref<256x256xf32, #tpu.memory_space<vmem>>, %arg11: memref<1x256xf32, #tpu.memory_space<vmem>>, %arg12: memref<256x256xf32, #tpu.memory_space<vmem>>, %arg13: memref<1x256xf32, #tpu.memory_space<vmem>>, %arg14: memref<64x256xf32, #tpu.memory_space<vmem>>, %arg15: memref<4096x64xf32, #tpu.memory_space<vmem>>, %arg16: memref<4096x256xf32, #tpu.memory_space<vmem>>, %arg17: memref<64x1xi32, #tpu.memory_space<vmem>>) attributes {dimension_semantics = [#tpu.dimension_semantics<arbitrary>], iteration_bounds = array<i64: 64>, scalar_prefetch = 0 : i64, scratch_operands = 0 : i64, tpu.core_type = #tpu.core_type<tc>, window_params = [{transform_indices = @transform_0, window_bounds = array<i64: 64, 1>}, {transform_indices = @transform_1, window_bounds = array<i64: 64, 1>}, {transform_indices = @transform_2, window_bounds = array<i64: 64, 256>}, {transform_indices = @transform_3, window_bounds = array<i64: 4096, 64>}, {transform_indices = @transform_4, window_bounds = array<i64: 4096, 256>}, {pipeline_mode = #tpu.pipeline_mode<synchronous>, transform_indices = @transform_5, window_bounds = array<i64: 64, 256>}, {pipeline_mode = #tpu.pipeline_mode<synchronous>, transform_indices = @transform_6, window_bounds = array<i64: 1, 64>}, {pipeline_mode = #tpu.pipeline_mode<synchronous>, transform_indices = @transform_7, window_bounds = array<i64: 64, 256>}, {pipeline_mode = #tpu.pipeline_mode<synchronous>, transform_indices = @transform_8, window_bounds = array<i64: 1, 64>}, {pipeline_mode = #tpu.pipeline_mode<synchronous>, transform_indices = @transform_9, window_bounds = array<i64: 256, 256>}, {pipeline_mode = #tpu.pipeline_mode<synchronous>, transform_indices = @transform_10, window_bounds = array<i64: 1, 256>}, {pipeline_mode = #tpu.pipeline_mode<synchronous>, transform_indices = @transform_11, window_bounds = array<i64: 256, 256>}, {pipeline_mode = #tpu.pipeline_mode<synchronous>, transform_indices = @transform_12, window_bounds = array<i64: 1, 256>}, {transform_indices = @transform_13, window_bounds = array<i64: 64, 256>}, {transform_indices = @transform_14, window_bounds = array<i64: 4096, 64>}, {transform_indices = @transform_15, window_bounds = array<i64: 4096, 256>}, {transform_indices = @transform_16, window_bounds = array<i64: 64, 1>}]} {
    %get3A = arith.constant 0 : index
    %get3A_0 = arith.constant 0 : index
    %get3A_1 = vector.load %arg3[%get3A, %get3A_0] : memref<64x256xf32, #tpu.memory_space<vmem>>, vector<64x256xf32>
    %get3A_2 = arith.constant 0 : index
    %get3A_3 = arith.constant 0 : index
    %get3A_4 = vector.load %arg4[%get3A_2, %get3A_3] : memref<4096x64xf32, #tpu.memory_space<vmem>>, vector<4096x64xf32>
    %get3A_5 = arith.constant 0 : index
    %get3A_6 = arith.constant 0 : index
    %get3A_7 = vector.load %arg5[%get3A_5, %get3A_6] : memref<4096x256xf32, #tpu.memory_space<vmem>>, vector<4096x256xf32>
    %get3A_8 = arith.constant 0 : index
    %get3A_9 = arith.constant 0 : index
    %get3A_10 = vector.load %arg2[%get3A_8, %get3A_9] : memref<64x1xi32, #tpu.memory_space<vmem>>, vector<64x1xi32>
    %iota3A = tpu.iota {dimensions = array<i32: 0>} : vector<4096x64xi32>
    %jit3A = arith.constant 64 : i32
    %div3A = vector.broadcast %jit3A : i32 to vector<4096x64xi32>
    %div3A_11 = arith.divsi %iota3A, %div3A : vector<4096x64xi32>
    %sign3A = arith.constant 0 : i32
    %sign3A_12 = vector.broadcast %sign3A : i32 to vector<4096x64xi32>
    %sign3A_13 = arith.cmpi sgt, %iota3A, %sign3A_12 : vector<4096x64xi32>
    %sign3A_14 = arith.extui %sign3A_13 : vector<4096x64xi1> to vector<4096x64xi32>
    %sign3A_15 = arith.constant 0 : i32
    %sign3A_16 = vector.broadcast %sign3A_15 : i32 to vector<4096x64xi32>
    %sign3A_17 = arith.cmpi slt, %iota3A, %sign3A_16 : vector<4096x64xi32>
    %sign3A_18 = arith.extui %sign3A_17 : vector<4096x64xi1> to vector<4096x64xi32>
    %sign3A_19 = arith.subi %sign3A_14, %sign3A_18 : vector<4096x64xi32>
    %sign3A_20 = arith.constant 0 : i32
    %sign3A_21 = arith.cmpi sgt, %jit3A, %sign3A_20 : i32
    %sign3A_22 = arith.extui %sign3A_21 : i1 to i32
    %sign3A_23 = arith.constant 0 : i32
    %sign3A_24 = arith.cmpi slt, %jit3A, %sign3A_23 : i32
    %sign3A_25 = arith.extui %sign3A_24 : i1 to i32
    %sign3A_26 = arith.subi %sign3A_22, %sign3A_25 : i32
    %ne3A = vector.broadcast %sign3A_26 : i32 to vector<4096x64xi32>
    %ne3A_27 = arith.cmpi ne, %sign3A_19, %ne3A : vector<4096x64xi32>
    %rem3A = vector.broadcast %jit3A : i32 to vector<4096x64xi32>
    %rem3A_28 = arith.remsi %iota3A, %rem3A : vector<4096x64xi32>
    %ne3A_29 = arith.constant 0 : i32
    %ne3A_30 = vector.broadcast %ne3A_29 : i32 to vector<4096x64xi32>
    %ne3A_31 = arith.cmpi ne, %rem3A_28, %ne3A_30 : vector<4096x64xi32>
    %and3A = arith.andi %ne3A_27, %ne3A_31 : vector<4096x64xi1>
    %sub3A = arith.constant 1 : i32
    %sub3A_32 = vector.broadcast %sub3A : i32 to vector<4096x64xi32>
    %sub3A_33 = arith.subi %div3A_11, %sub3A_32 : vector<4096x64xi32>
    %select_n3A = arith.select %and3A, %sub3A_33, %div3A_11 : vector<4096x64xi1>, vector<4096x64xi32>
    %iota3A_34 = tpu.iota {dimensions = array<i32: 1>} : vector<4096x64xi32>
    %eq3A = arith.cmpi eq, %select_n3A, %iota3A_34 : vector<4096x64xi32>
    %convert_element_type3A = arith.extui %eq3A : vector<4096x64xi1> to vector<4096x64xi32>
    %convert_element_type3A_35 = arith.sitofp %convert_element_type3A : vector<4096x64xi32> to vector<4096x64xf32>
    %iota3A_36 = tpu.iota {dimensions = array<i32: 1>} : vector<64x4096xi32>
    %jit3A_37 = arith.constant 64 : i32
    %div3A_38 = vector.broadcast %jit3A_37 : i32 to vector<64x4096xi32>
    %div3A_39 = arith.divsi %iota3A_36, %div3A_38 : vector<64x4096xi32>
    %sign3A_40 = arith.constant 0 : i32
    %sign3A_41 = vector.broadcast %sign3A_40 : i32 to vector<64x4096xi32>
    %sign3A_42 = arith.cmpi sgt, %iota3A_36, %sign3A_41 : vector<64x4096xi32>
    %sign3A_43 = arith.extui %sign3A_42 : vector<64x4096xi1> to vector<64x4096xi32>
    %sign3A_44 = arith.constant 0 : i32
    %sign3A_45 = vector.broadcast %sign3A_44 : i32 to vector<64x4096xi32>
    %sign3A_46 = arith.cmpi slt, %iota3A_36, %sign3A_45 : vector<64x4096xi32>
    %sign3A_47 = arith.extui %sign3A_46 : vector<64x4096xi1> to vector<64x4096xi32>
    %sign3A_48 = arith.subi %sign3A_43, %sign3A_47 : vector<64x4096xi32>
    %sign3A_49 = arith.constant 0 : i32
    %sign3A_50 = arith.cmpi sgt, %jit3A_37, %sign3A_49 : i32
    %sign3A_51 = arith.extui %sign3A_50 : i1 to i32
    %sign3A_52 = arith.constant 0 : i32
    %sign3A_53 = arith.cmpi slt, %jit3A_37, %sign3A_52 : i32
    %sign3A_54 = arith.extui %sign3A_53 : i1 to i32
    %sign3A_55 = arith.subi %sign3A_51, %sign3A_54 : i32
    %ne3A_56 = vector.broadcast %sign3A_55 : i32 to vector<64x4096xi32>
    %ne3A_57 = arith.cmpi ne, %sign3A_48, %ne3A_56 : vector<64x4096xi32>
    %rem3A_58 = vector.broadcast %jit3A_37 : i32 to vector<64x4096xi32>
    %rem3A_59 = arith.remsi %iota3A_36, %rem3A_58 : vector<64x4096xi32>
    %ne3A_60 = arith.constant 0 : i32
    %ne3A_61 = vector.broadcast %ne3A_60 : i32 to vector<64x4096xi32>
    %ne3A_62 = arith.cmpi ne, %rem3A_59, %ne3A_61 : vector<64x4096xi32>
    %and3A_63 = arith.andi %ne3A_57, %ne3A_62 : vector<64x4096xi1>
    %sub3A_64 = arith.constant 1 : i32
    %sub3A_65 = vector.broadcast %sub3A_64 : i32 to vector<64x4096xi32>
    %sub3A_66 = arith.subi %div3A_39, %sub3A_65 : vector<64x4096xi32>
    %select_n3A_67 = arith.select %and3A_63, %sub3A_66, %div3A_39 : vector<64x4096xi1>, vector<64x4096xi32>
    %iota3A_68 = tpu.iota {dimensions = array<i32: 0>} : vector<64x4096xi32>
    %eq3A_69 = arith.cmpi eq, %select_n3A_67, %iota3A_68 : vector<64x4096xi32>
    %convert_element_type3A_70 = arith.extui %eq3A_69 : vector<64x4096xi1> to vector<64x4096xi32>
    %convert_element_type3A_71 = arith.sitofp %convert_element_type3A_70 : vector<64x4096xi32> to vector<64x4096xf32>
    %get3A_72 = arith.constant 0 : index
    %get3A_73 = arith.constant 0 : index
    %get3A_74 = vector.load %arg6[%get3A_72, %get3A_73] : memref<64x256xf32, #tpu.memory_space<vmem>>, vector<64x256xf32>
    %dot_general3A = arith.constant dense<0.000000e+00> : vector<64x64xf32>
    %dot_general3A_75 = tpu.matmul %get3A_1, %get3A_74, %dot_general3A {dimension_numbers = #tpu.dot_dimension_numbers<[1], [1], [0], [0], [0, 0, 1, 0], [], []>, precision = #tpu.contract_precision<fp32>, transpose_lhs_hint = false} : vector<64x256xf32>, vector<64x256xf32>, vector<64x64xf32> -> vector<64x64xf32>
    %get3A_76 = arith.constant 0 : index
    %get3A_77 = arith.constant 0 : index
    %get3A_78 = vector.load %arg7[%get3A_76, %get3A_77] : memref<1x64xf32, #tpu.memory_space<vmem>>, vector<1x64xf32>
    %add3A = vector.broadcast %get3A_78 : vector<1x64xf32> to vector<64x64xf32>
    %add3A_79 = arith.addf %dot_general3A_75, %add3A : vector<64x64xf32>
    %dot_general3A_80 = arith.constant dense<0.000000e+00> : vector<4096x64xf32>
    %dot_general3A_81 = tpu.matmul %convert_element_type3A_35, %add3A_79, %dot_general3A_80 {dimension_numbers = #tpu.dot_dimension_numbers<[1], [0], [0], [1], [0, 0, 1, 1], [], []>, transpose_lhs_hint = false} : vector<4096x64xf32>, vector<64x64xf32>, vector<4096x64xf32> -> vector<4096x64xf32>
    %mul3A = arith.mulf %get3A_4, %dot_general3A_81 : vector<4096x64xf32>
    %reduce_sum3A = arith.constant dense<0.000000e+00> : vector<4096xf32>
    %reduce_sum3A_82 = vector.multi_reduction <add>, %mul3A, %reduce_sum3A [1] : vector<4096x64xf32> to vector<4096xf32>
    %broadcast_in_dim3A = vector.shape_cast %reduce_sum3A_82 : vector<4096xf32> to vector<4096x1xf32>
    %mul3A_83 = arith.constant 1.250000e-01 : f32
    %mul3A_84 = vector.broadcast %mul3A_83 : f32 to vector<4096x1xf32>
    %mul3A_85 = arith.mulf %broadcast_in_dim3A, %mul3A_84 : vector<4096x1xf32>
    %exp3A = math.exp %mul3A_85 : vector<4096x1xf32>
    %dot_general3A_86 = arith.constant dense<0.000000e+00> : vector<64x1xf32>
    %dot_general3A_87 = tpu.matmul %convert_element_type3A_71, %exp3A, %dot_general3A_86 {dimension_numbers = #tpu.dot_dimension_numbers<[1], [0], [0], [1], [0, 0, 1, 1], [], []>, transpose_lhs_hint = false} : vector<64x4096xf32>, vector<4096x1xf32>, vector<64x1xf32> -> vector<64x1xf32>
    %dot_general3A_88 = arith.constant dense<0.000000e+00> : vector<4096x1xf32>
    %dot_general3A_89 = tpu.matmul %convert_element_type3A_35, %dot_general3A_87, %dot_general3A_88 {dimension_numbers = #tpu.dot_dimension_numbers<[1], [0], [0], [1], [0, 0, 1, 1], [], []>, transpose_lhs_hint = false} : vector<4096x64xf32>, vector<64x1xf32>, vector<4096x1xf32> -> vector<4096x1xf32>
    %div3A_90 = arith.divf %exp3A, %dot_general3A_89 : vector<4096x1xf32>
    %mul3A_91 = vector.broadcast %div3A_90 : vector<4096x1xf32> to vector<4096x256xf32>
    %mul3A_92 = arith.mulf %mul3A_91, %get3A_7 : vector<4096x256xf32>
    %dot_general3A_93 = arith.constant dense<0.000000e+00> : vector<64x256xf32>
    %dot_general3A_94 = tpu.matmul %convert_element_type3A_71, %mul3A_92, %dot_general3A_93 {dimension_numbers = #tpu.dot_dimension_numbers<[1], [0], [0], [1], [0, 0, 1, 1], [], []>, transpose_lhs_hint = false} : vector<64x4096xf32>, vector<4096x256xf32>, vector<64x256xf32> -> vector<64x256xf32>
    %get3A_95 = arith.constant 0 : index
    %get3A_96 = arith.constant 0 : index
    %get3A_97 = vector.load %arg12[%get3A_95, %get3A_96] : memref<256x256xf32, #tpu.memory_space<vmem>>, vector<256x256xf32>
    %dot_general3A_98 = arith.constant dense<0.000000e+00> : vector<64x256xf32>
    %dot_general3A_99 = tpu.matmul %dot_general3A_94, %get3A_97, %dot_general3A_98 {dimension_numbers = #tpu.dot_dimension_numbers<[1], [1], [0], [0], [0, 0, 1, 0], [], []>, precision = #tpu.contract_precision<fp32>, transpose_lhs_hint = false} : vector<64x256xf32>, vector<256x256xf32>, vector<64x256xf32> -> vector<64x256xf32>
    %get3A_100 = arith.constant 0 : index
    %get3A_101 = arith.constant 0 : index
    %get3A_102 = vector.load %arg13[%get3A_100, %get3A_101] : memref<1x256xf32, #tpu.memory_space<vmem>>, vector<1x256xf32>
    %add3A_103 = vector.broadcast %get3A_102 : vector<1x256xf32> to vector<64x256xf32>
    %add3A_104 = arith.addf %dot_general3A_99, %add3A_103 : vector<64x256xf32>
    %swap3A = arith.constant 0 : index
    %swap3A_105 = arith.constant 0 : index
    %swap3A_106 = vector.load %arg14[%swap3A, %swap3A_105] : memref<64x256xf32, #tpu.memory_space<vmem>>, vector<64x256xf32>
    tpu.vector_store %arg14[%swap3A, %swap3A_105], %add3A_104 {strides = array<i32>} : memref<64x256xf32, #tpu.memory_space<vmem>>, vector<64x256xf32>,
    %get3A_107 = arith.constant 0 : index
    %get3A_108 = arith.constant 0 : index
    %get3A_109 = vector.load %arg8[%get3A_107, %get3A_108] : memref<64x256xf32, #tpu.memory_space<vmem>>, vector<64x256xf32>
    %dot_general3A_110 = arith.constant dense<0.000000e+00> : vector<64x64xf32>
    %dot_general3A_111 = tpu.matmul %get3A_1, %get3A_109, %dot_general3A_110 {dimension_numbers = #tpu.dot_dimension_numbers<[1], [1], [0], [0], [0, 0, 1, 0], [], []>, precision = #tpu.contract_precision<fp32>, transpose_lhs_hint = false} : vector<64x256xf32>, vector<64x256xf32>, vector<64x64xf32> -> vector<64x64xf32>
    %get3A_112 = arith.constant 0 : index
    %get3A_113 = arith.constant 0 : index
    %get3A_114 = vector.load %arg9[%get3A_112, %get3A_113] : memref<1x64xf32, #tpu.memory_space<vmem>>, vector<1x64xf32>
    %add3A_115 = vector.broadcast %get3A_114 : vector<1x64xf32> to vector<64x64xf32>
    %add3A_116 = arith.addf %dot_general3A_111, %add3A_115 : vector<64x64xf32>
    %get3A_117 = arith.constant 0 : index
    %get3A_118 = arith.constant 0 : index
    %get3A_119 = vector.load %arg10[%get3A_117, %get3A_118] : memref<256x256xf32, #tpu.memory_space<vmem>>, vector<256x256xf32>
    %dot_general3A_120 = arith.constant dense<0.000000e+00> : vector<64x256xf32>
    %dot_general3A_121 = tpu.matmul %get3A_1, %get3A_119, %dot_general3A_120 {dimension_numbers = #tpu.dot_dimension_numbers<[1], [1], [0], [0], [0, 0, 1, 0], [], []>, precision = #tpu.contract_precision<fp32>, transpose_lhs_hint = false} : vector<64x256xf32>, vector<256x256xf32>, vector<64x256xf32> -> vector<64x256xf32>
    %get3A_122 = arith.constant 0 : index
    %get3A_123 = arith.constant 0 : index
    %get3A_124 = vector.load %arg11[%get3A_122, %get3A_123] : memref<1x256xf32, #tpu.memory_space<vmem>>, vector<1x256xf32>
    %add3A_125 = vector.broadcast %get3A_124 : vector<1x256xf32> to vector<64x256xf32>
    %add3A_126 = arith.addf %dot_general3A_121, %add3A_125 : vector<64x256xf32>
    %swap3A_127 = arith.constant 0 : index
    %swap3A_128 = arith.constant 0 : index
    %swap3A_129 = vector.load %arg15[%swap3A_127, %swap3A_128] : memref<4096x64xf32, #tpu.memory_space<vmem>>, vector<4096x64xf32>
    tpu.vector_store %arg15[%swap3A_127, %swap3A_128], %get3A_4 {strides = array<i32>} : memref<4096x64xf32, #tpu.memory_space<vmem>>, vector<4096x64xf32>,
    %swap3A_130 = arith.constant 0 : index
    %swap3A_131 = arith.constant 0 : index
    %swap3A_132 = vector.load %arg16[%swap3A_130, %swap3A_131] : memref<4096x256xf32, #tpu.memory_space<vmem>>, vector<4096x256xf32>
    tpu.vector_store %arg16[%swap3A_130, %swap3A_131], %get3A_7 {strides = array<i32>} : memref<4096x256xf32, #tpu.memory_space<vmem>>, vector<4096x256xf32>,
    %get3A_133 = arith.constant 0 : index
    %get3A_134 = arith.constant 0 : index
    %get3A_135 = memref.load %arg1[%get3A_133, %get3A_134] : memref<64x1xi32, #tpu.memory_space<smem>>
    %add3A_136 = arith.constant 0 : i32
    %add3A_137 = arith.addi %add3A_136, %get3A_135 : i32
    %slice3A = vector.extract_strided_slice %add3A_116 {offsets = [0, 0], sizes = [1, 64], strides = [1, 1]} : vector<64x64xf32> to vector<1x64xf32>
    %swap3A_138 = arith.index_cast %add3A_137 : i32 to index
    %swap3A_139 = arith.constant 0 : index
    %swap3A_140 = vector.load %arg15[%swap3A_138, %swap3A_139] : memref<4096x64xf32, #tpu.memory_space<vmem>>, vector<1x64xf32>
    tpu.vector_store %arg15[%swap3A_138, %swap3A_139], %slice3A {strides = array<i32>} : memref<4096x64xf32, #tpu.memory_space<vmem>>, vector<1x64xf32>,
    %slice3A_141 = vector.extract_strided_slice %add3A_126 {offsets = [0, 0], sizes = [1, 256], strides = [1, 1]} : vector<64x256xf32> to vector<1x256xf32>
    %swap3A_142 = arith.index_cast %add3A_137 : i32 to index
    %swap3A_143 = arith.constant 0 : index
    %swap3A_144 = vector.load %arg16[%swap3A_142, %swap3A_143] : memref<4096x256xf32, #tpu.memory_space<vmem>>, vector<1x256xf32>
    tpu.vector_store %arg16[%swap3A_142, %swap3A_143], %slice3A_141 {strides = array<i32>} : memref<4096x256xf32, #tpu.memory_space<vmem>>, vector<1x256xf32>,
    %get3A_145 = arith.constant 1 : index
    %get3A_146 = arith.constant 0 : index
    %get3A_147 = memref.load %arg1[%get3A_145, %get3A_146] : memref<64x1xi32, #tpu.memory_space<smem>>
    %add3A_148 = arith.constant 64 : i32
    %add3A_149 = arith.addi %add3A_148, %get3A_147 : i32
    %slice3A_150 = vector.extract_strided_slice %add3A_116 {offsets = [1, 0], sizes = [1, 64], strides = [1, 1]} : vector<64x64xf32> to vector<1x64xf32>
    %swap3A_151 = arith.index_cast %add3A_149 : i32 to index
    %swap3A_152 = arith.constant 0 : index
    %swap3A_153 = vector.load %arg15[%swap3A_151, %swap3A_152] : memref<4096x64xf32, #tpu.memory_space<vmem>>, vector<1x64xf32>
    tpu.vector_store %arg15[%swap3A_151, %swap3A_152], %slice3A_150 {strides = array<i32>} : memref<4096x64xf32, #tpu.memory_space<vmem>>, vector<1x64xf32>,
    %slice3A_154 = vector.extract_strided_slice %add3A_126 {offsets = [1, 0], sizes = [1, 256], strides = [1, 1]} : vector<64x256xf32> to vector<1x256xf32>
    %swap3A_155 = arith.index_cast %add3A_149 : i32 to index
    %swap3A_156 = arith.constant 0 : index
    %swap3A_157 = vector.load %arg16[%swap3A_155, %swap3A_156] : memref<4096x256xf32, #tpu.memory_space<vmem>>, vector<1x256xf32>
    tpu.vector_store %arg16[%swap3A_155, %swap3A_156], %slice3A_154 {strides = array<i32>} : memref<4096x256xf32, #tpu.memory_space<vmem>>, vector<1x256xf32>,
    %get3A_158 = arith.constant 2 : index
    %get3A_159 = arith.constant 0 : index
    %get3A_160 = memref.load %arg1[%get3A_158, %get3A_159] : memref<64x1xi32, #tpu.memory_space<smem>>
    %add3A_161 = arith.constant 128 : i32
    %add3A_162 = arith.addi %add3A_161, %get3A_160 : i32
    %slice3A_163 = vector.extract_strided_slice %add3A_116 {offsets = [2, 0], sizes = [1, 64], strides = [1, 1]} : vector<64x64xf32> to vector<1x64xf32>
    %swap3A_164 = arith.index_cast %add3A_162 : i32 to index
    %swap3A_165 = arith.constant 0 : index
    %swap3A_166 = vector.load %arg15[%swap3A_164, %swap3A_165] : memref<4096x64xf32, #tpu.memory_space<vmem>>, vector<1x64xf32>
    tpu.vector_store %arg15[%swap3A_164, %swap3A_165], %slice3A_163 {strides = array<i32>} : memref<4096x64xf32, #tpu.memory_space<vmem>>, vector<1x64xf32>,
    %slice3A_167 = vector.extract_strided_slice %add3A_126 {offsets = [2, 0], sizes = [1, 256], strides = [1, 1]} : vector<64x256xf32> to vector<1x256xf32>
    %swap3A_168 = arith.index_cast %add3A_162 : i32 to index
    %swap3A_169 = arith.constant 0 : index
    %swap3A_170 = vector.load %arg16[%swap3A_168, %swap3A_169] : memref<4096x256xf32, #tpu.memory_space<vmem>>, vector<1x256xf32>
    tpu.vector_store %arg16[%swap3A_168, %swap3A_169], %slice3A_167 {strides = array<i32>} : memref<4096x256xf32, #tpu.memory_space<vmem>>, vector<1x256xf32>,
    %get3A_171 = arith.constant 3 : index
    %get3A_172 = arith.constant 0 : index
    %get3A_173 = memref.load %arg1[%get3A_171, %get3A_172] : memref<64x1xi32, #tpu.memory_space<smem>>
    %add3A_174 = arith.constant 192 : i32
    %add3A_175 = arith.addi %add3A_174, %get3A_173 : i32
    %slice3A_176 = vector.extract_strided_slice %add3A_116 {offsets = [3, 0], sizes = [1, 64], strides = [1, 1]} : vector<64x64xf32> to vector<1x64xf32>
    %swap3A_177 = arith.index_cast %add3A_175 : i32 to index
    %swap3A_178 = arith.constant 0 : index
    %swap3A_179 = vector.load %arg15[%swap3A_177, %swap3A_178] : memref<4096x64xf32, #tpu.memory_space<vmem>>, vector<1x64xf32>
    tpu.vector_store %arg15[%swap3A_177, %swap3A_178], %slice3A_176 {strides = array<i32>} : memref<4096x64xf32, #tpu.memory_space<vmem>>, vector<1x64xf32>,
    %slice3A_180 = vector.extract_strided_slice %add3A_126 {offsets = [3, 0], sizes = [1, 256], strides = [1, 1]} : vector<64x256xf32> to vector<1x256xf32>
    %swap3A_181 = arith.index_cast %add3A_175 : i32 to index
    %swap3A_182 = arith.constant 0 : index
    %swap3A_183 = vector.load %arg16[%swap3A_181, %swap3A_182] : memref<4096x256xf32, #tpu.memory_space<vmem>>, vector<1x256xf32>
    tpu.vector_store %arg16[%swap3A_181, %swap3A_182], %slice3A_180 {strides = array<i32>} : memref<4096x256xf32, #tpu.memory_space<vmem>>, vector<1x256xf32>,
    %get3A_184 = arith.constant 4 : index
    %get3A_185 = arith.constant 0 : index
    %get3A_186 = memref.load %arg1[%get3A_184, %get3A_185] : memref<64x1xi32, #tpu.memory_space<smem>>
    %add3A_187 = arith.constant 256 : i32
    %add3A_188 = arith.addi %add3A_187, %get3A_186 : i32
    %slice3A_189 = vector.extract_strided_slice %add3A_116 {offsets = [4, 0], sizes = [1, 64], strides = [1, 1]} : vector<64x64xf32> to vector<1x64xf32>
    %swap3A_190 = arith.index_cast %add3A_188 : i32 to index
    %swap3A_191 = arith.constant 0 : index
    %swap3A_192 = vector.load %arg15[%swap3A_190, %swap3A_191] : memref<4096x64xf32, #tpu.memory_space<vmem>>, vector<1x64xf32>
    tpu.vector_store %arg15[%swap3A_190, %swap3A_191], %slice3A_189 {strides = array<i32>} : memref<4096x64xf32, #tpu.memory_space<vmem>>, vector<1x64xf32>,
    %slice3A_193 = vector.extract_strided_slice %add3A_126 {offsets = [4, 0], sizes = [1, 256], strides = [1, 1]} : vector<64x256xf32> to vector<1x256xf32>
    %swap3A_194 = arith.index_cast %add3A_188 : i32 to index
    %swap3A_195 = arith.constant 0 : index
    %swap3A_196 = vector.load %arg16[%swap3A_194, %swap3A_195] : memref<4096x256xf32, #tpu.memory_space<vmem>>, vector<1x256xf32>
    tpu.vector_store %arg16[%swap3A_194, %swap3A_195], %slice3A_193 {strides = array<i32>} : memref<4096x256xf32, #tpu.memory_space<vmem>>, vector<1x256xf32>,
    %get3A_197 = arith.constant 5 : index
    %get3A_198 = arith.constant 0 : index
    %get3A_199 = memref.load %arg1[%get3A_197, %get3A_198] : memref<64x1xi32, #tpu.memory_space<smem>>
    %add3A_200 = arith.constant 320 : i32
    %add3A_201 = arith.addi %add3A_200, %get3A_199 : i32
    %slice3A_202 = vector.extract_strided_slice %add3A_116 {offsets = [5, 0], sizes = [1, 64], strides = [1, 1]} : vector<64x64xf32> to vector<1x64xf32>
    %swap3A_203 = arith.index_cast %add3A_201 : i32 to index
    %swap3A_204 = arith.constant 0 : index
    %swap3A_205 = vector.load %arg15[%swap3A_203, %swap3A_204] : memref<4096x64xf32, #tpu.memory_space<vmem>>, vector<1x64xf32>
    tpu.vector_store %arg15[%swap3A_203, %swap3A_204], %slice3A_202 {strides = array<i32>} : memref<4096x64xf32, #tpu.memory_space<vmem>>, vector<1x64xf32>,
    %slice3A_206 = vector.extract_strided_slice %add3A_126 {offsets = [5, 0], sizes = [1, 256], strides = [1, 1]} : vector<64x256xf32> to vector<1x256xf32>
    %swap3A_207 = arith.index_cast %add3A_201 : i32 to index
    %swap3A_208 = arith.constant 0 : index
    %swap3A_209 = vector.load %arg16[%swap3A_207, %swap3A_208] : memref<4096x256xf32, #tpu.memory_space<vmem>>, vector<1x256xf32>
    tpu.vector_store %arg16[%swap3A_207, %swap3A_208], %slice3A_206 {strides = array<i32>} : memref<4096x256xf32, #tpu.memory_space<vmem>>, vector<1x256xf32>,
    %get3A_210 = arith.constant 6 : index
    %get3A_211 = arith.constant 0 : index
    %get3A_212 = memref.load %arg1[%get3A_210, %get3A_211] : memref<64x1xi32, #tpu.memory_space<smem>>
    %add3A_213 = arith.constant 384 : i32
    %add3A_214 = arith.addi %add3A_213, %get3A_212 : i32
    %slice3A_215 = vector.extract_strided_slice %add3A_116 {offsets = [6, 0], sizes = [1, 64], strides = [1, 1]} : vector<64x64xf32> to vector<1x64xf32>
    %swap3A_216 = arith.index_cast %add3A_214 : i32 to index
    %swap3A_217 = arith.constant 0 : index
    %swap3A_218 = vector.load %arg15[%swap3A_216, %swap3A_217] : memref<4096x64xf32, #tpu.memory_space<vmem>>, vector<1x64xf32>
    tpu.vector_store %arg15[%swap3A_216, %swap3A_217], %slice3A_215 {strides = array<i32>} : memref<4096x64xf32, #tpu.memory_space<vmem>>, vector<1x64xf32>,
    %slice3A_219 = vector.extract_strided_slice %add3A_126 {offsets = [6, 0], sizes = [1, 256], strides = [1, 1]} : vector<64x256xf32> to vector<1x256xf32>
    %swap3A_220 = arith.index_cast %add3A_214 : i32 to index
    %swap3A_221 = arith.constant 0 : index
    %swap3A_222 = vector.load %arg16[%swap3A_220, %swap3A_221] : memref<4096x256xf32, #tpu.memory_space<vmem>>, vector<1x256xf32>
    tpu.vector_store %arg16[%swap3A_220, %swap3A_221], %slice3A_219 {strides = array<i32>} : memref<4096x256xf32, #tpu.memory_space<vmem>>, vector<1x256xf32>,
    %get3A_223 = arith.constant 7 : index
    %get3A_224 = arith.constant 0 : index
    %get3A_225 = memref.load %arg1[%get3A_223, %get3A_224] : memref<64x1xi32, #tpu.memory_space<smem>>
    %add3A_226 = arith.constant 448 : i32
    %add3A_227 = arith.addi %add3A_226, %get3A_225 : i32
    %slice3A_228 = vector.extract_strided_slice %add3A_116 {offsets = [7, 0], sizes = [1, 64], strides = [1, 1]} : vector<64x64xf32> to vector<1x64xf32>
    %swap3A_229 = arith.index_cast %add3A_227 : i32 to index
    %swap3A_230 = arith.constant 0 : index
    %swap3A_231 = vector.load %arg15[%swap3A_229, %swap3A_230] : memref<4096x64xf32, #tpu.memory_space<vmem>>, vector<1x64xf32>
    tpu.vector_store %arg15[%swap3A_229, %swap3A_230], %slice3A_228 {strides = array<i32>} : memref<4096x64xf32, #tpu.memory_space<vmem>>, vector<1x64xf32>,
    %slice3A_232 = vector.extract_strided_slice %add3A_126 {offsets = [7, 0], sizes = [1, 256], strides = [1, 1]} : vector<64x256xf32> to vector<1x256xf32>
    %swap3A_233 = arith.index_cast %add3A_227 : i32 to index
    %swap3A_234 = arith.constant 0 : index
    %swap3A_235 = vector.load %arg16[%swap3A_233, %swap3A_234] : memref<4096x256xf32, #tpu.memory_space<vmem>>, vector<1x256xf32>
    tpu.vector_store %arg16[%swap3A_233, %swap3A_234], %slice3A_232 {strides = array<i32>} : memref<4096x256xf32, #tpu.memory_space<vmem>>, vector<1x256xf32>,
    %get3A_236 = arith.constant 8 : index
    %get3A_237 = arith.constant 0 : index
    %get3A_238 = memref.load %arg1[%get3A_236, %get3A_237] : memref<64x1xi32, #tpu.memory_space<smem>>
    %add3A_239 = arith.constant 512 : i32
    %add3A_240 = arith.addi %add3A_239, %get3A_238 : i32
    %slice3A_241 = vector.extract_strided_slice %add3A_116 {offsets = [8, 0], sizes = [1, 64], strides = [1, 1]} : vector<64x64xf32> to vector<1x64xf32>
    %swap3A_242 = arith.index_cast %add3A_240 : i32 to index
    %swap3A_243 = arith.constant 0 : index
    %swap3A_244 = vector.load %arg15[%swap3A_242, %swap3A_243] : memref<4096x64xf32, #tpu.memory_space<vmem>>, vector<1x64xf32>
    tpu.vector_store %arg15[%swap3A_242, %swap3A_243], %slice3A_241 {strides = array<i32>} : memref<4096x64xf32, #tpu.memory_space<vmem>>, vector<1x64xf32>,
    %slice3A_245 = vector.extract_strided_slice %add3A_126 {offsets = [8, 0], sizes = [1, 256], strides = [1, 1]} : vector<64x256xf32> to vector<1x256xf32>
    %swap3A_246 = arith.index_cast %add3A_240 : i32 to index
    %swap3A_247 = arith.constant 0 : index
    %swap3A_248 = vector.load %arg16[%swap3A_246, %swap3A_247] : memref<4096x256xf32, #tpu.memory_space<vmem>>, vector<1x256xf32>
    tpu.vector_store %arg16[%swap3A_246, %swap3A_247], %slice3A_245 {strides = array<i32>} : memref<4096x256xf32, #tpu.memory_space<vmem>>, vector<1x256xf32>,
    %get3A_249 = arith.constant 9 : index
    %get3A_250 = arith.constant 0 : index
    %get3A_251 = memref.load %arg1[%get3A_249, %get3A_250] : memref<64x1xi32, #tpu.memory_space<smem>>
    %add3A_252 = arith.constant 576 : i32
    %add3A_253 = arith.addi %add3A_252, %get3A_251 : i32
    %slice3A_254 = vector.extract_strided_slice %add3A_116 {offsets = [9, 0], sizes = [1, 64], strides = [1, 1]} : vector<64x64xf32> to vector<1x64xf32>
    %swap3A_255 = arith.index_cast %add3A_253 : i32 to index
    %swap3A_256 = arith.constant 0 : index
    %swap3A_257 = vector.load %arg15[%swap3A_255, %swap3A_256] : memref<4096x64xf32, #tpu.memory_space<vmem>>, vector<1x64xf32>
    tpu.vector_store %arg15[%swap3A_255, %swap3A_256], %slice3A_254 {strides = array<i32>} : memref<4096x64xf32, #tpu.memory_space<vmem>>, vector<1x64xf32>,
    %slice3A_258 = vector.extract_strided_slice %add3A_126 {offsets = [9, 0], sizes = [1, 256], strides = [1, 1]} : vector<64x256xf32> to vector<1x256xf32>
    %swap3A_259 = arith.index_cast %add3A_253 : i32 to index
    %swap3A_260 = arith.constant 0 : index
    %swap3A_261 = vector.load %arg16[%swap3A_259, %swap3A_260] : memref<4096x256xf32, #tpu.memory_space<vmem>>, vector<1x256xf32>
    tpu.vector_store %arg16[%swap3A_259, %swap3A_260], %slice3A_258 {strides = array<i32>} : memref<4096x256xf32, #tpu.memory_space<vmem>>, vector<1x256xf32>,
    %get3A_262 = arith.constant 10 : index
    %get3A_263 = arith.constant 0 : index
    %get3A_264 = memref.load %arg1[%get3A_262, %get3A_263] : memref<64x1xi32, #tpu.memory_space<smem>>
    %add3A_265 = arith.constant 640 : i32
    %add3A_266 = arith.addi %add3A_265, %get3A_264 : i32
    %slice3A_267 = vector.extract_strided_slice %add3A_116 {offsets = [10, 0], sizes = [1, 64], strides = [1, 1]} : vector<64x64xf32> to vector<1x64xf32>
    %swap3A_268 = arith.index_cast %add3A_266 : i32 to index
    %swap3A_269 = arith.constant 0 : index
    %swap3A_270 = vector.load %arg15[%swap3A_268, %swap3A_269] : memref<4096x64xf32, #tpu.memory_space<vmem>>, vector<1x64xf32>
    tpu.vector_store %arg15[%swap3A_268, %swap3A_269], %slice3A_267 {strides = array<i32>} : memref<4096x64xf32, #tpu.memory_space<vmem>>, vector<1x64xf32>,
    %slice3A_271 = vector.extract_strided_slice %add3A_126 {offsets = [10, 0], sizes = [1, 256], strides = [1, 1]} : vector<64x256xf32> to vector<1x256xf32>
    %swap3A_272 = arith.index_cast %add3A_266 : i32 to index
    %swap3A_273 = arith.constant 0 : index
    %swap3A_274 = vector.load %arg16[%swap3A_272, %swap3A_273] : memref<4096x256xf32, #tpu.memory_space<vmem>>, vector<1x256xf32>
    tpu.vector_store %arg16[%swap3A_272, %swap3A_273], %slice3A_271 {strides = array<i32>} : memref<4096x256xf32, #tpu.memory_space<vmem>>, vector<1x256xf32>,
    %get3A_275 = arith.constant 11 : index
    %get3A_276 = arith.constant 0 : index
    %get3A_277 = memref.load %arg1[%get3A_275, %get3A_276] : memref<64x1xi32, #tpu.memory_space<smem>>
    %add3A_278 = arith.constant 704 : i32
    %add3A_279 = arith.addi %add3A_278, %get3A_277 : i32
    %slice3A_280 = vector.extract_strided_slice %add3A_116 {offsets = [11, 0], sizes = [1, 64], strides = [1, 1]} : vector<64x64xf32> to vector<1x64xf32>
    %swap3A_281 = arith.index_cast %add3A_279 : i32 to index
    %swap3A_282 = arith.constant 0 : index
    %swap3A_283 = vector.load %arg15[%swap3A_281, %swap3A_282] : memref<4096x64xf32, #tpu.memory_space<vmem>>, vector<1x64xf32>
    tpu.vector_store %arg15[%swap3A_281, %swap3A_282], %slice3A_280 {strides = array<i32>} : memref<4096x64xf32, #tpu.memory_space<vmem>>, vector<1x64xf32>,
    %slice3A_284 = vector.extract_strided_slice %add3A_126 {offsets = [11, 0], sizes = [1, 256], strides = [1, 1]} : vector<64x256xf32> to vector<1x256xf32>
    %swap3A_285 = arith.index_cast %add3A_279 : i32 to index
    %swap3A_286 = arith.constant 0 : index
    %swap3A_287 = vector.load %arg16[%swap3A_285, %swap3A_286] : memref<4096x256xf32, #tpu.memory_space<vmem>>, vector<1x256xf32>
    tpu.vector_store %arg16[%swap3A_285, %swap3A_286], %slice3A_284 {strides = array<i32>} : memref<4096x256xf32, #tpu.memory_space<vmem>>, vector<1x256xf32>,
    %get3A_288 = arith.constant 12 : index
    %get3A_289 = arith.constant 0 : index
    %get3A_290 = memref.load %arg1[%get3A_288, %get3A_289] : memref<64x1xi32, #tpu.memory_space<smem>>
    %add3A_291 = arith.constant 768 : i32
    %add3A_292 = arith.addi %add3A_291, %get3A_290 : i32
    %slice3A_293 = vector.extract_strided_slice %add3A_116 {offsets = [12, 0], sizes = [1, 64], strides = [1, 1]} : vector<64x64xf32> to vector<1x64xf32>
    %swap3A_294 = arith.index_cast %add3A_292 : i32 to index
    %swap3A_295 = arith.constant 0 : index
    %swap3A_296 = vector.load %arg15[%swap3A_294, %swap3A_295] : memref<4096x64xf32, #tpu.memory_space<vmem>>, vector<1x64xf32>
    tpu.vector_store %arg15[%swap3A_294, %swap3A_295], %slice3A_293 {strides = array<i32>} : memref<4096x64xf32, #tpu.memory_space<vmem>>, vector<1x64xf32>,
    %slice3A_297 = vector.extract_strided_slice %add3A_126 {offsets = [12, 0], sizes = [1, 256], strides = [1, 1]} : vector<64x256xf32> to vector<1x256xf32>
    %swap3A_298 = arith.index_cast %add3A_292 : i32 to index
    %swap3A_299 = arith.constant 0 : index
    %swap3A_300 = vector.load %arg16[%swap3A_298, %swap3A_299] : memref<4096x256xf32, #tpu.memory_space<vmem>>, vector<1x256xf32>
    tpu.vector_store %arg16[%swap3A_298, %swap3A_299], %slice3A_297 {strides = array<i32>} : memref<4096x256xf32, #tpu.memory_space<vmem>>, vector<1x256xf32>,
    %get3A_301 = arith.constant 13 : index
    %get3A_302 = arith.constant 0 : index
    %get3A_303 = memref.load %arg1[%get3A_301, %get3A_302] : memref<64x1xi32, #tpu.memory_space<smem>>
    %add3A_304 = arith.constant 832 : i32
    %add3A_305 = arith.addi %add3A_304, %get3A_303 : i32
    %slice3A_306 = vector.extract_strided_slice %add3A_116 {offsets = [13, 0], sizes = [1, 64], strides = [1, 1]} : vector<64x64xf32> to vector<1x64xf32>
    %swap3A_307 = arith.index_cast %add3A_305 : i32 to index
    %swap3A_308 = arith.constant 0 : index
    %swap3A_309 = vector.load %arg15[%swap3A_307, %swap3A_308] : memref<4096x64xf32, #tpu.memory_space<vmem>>, vector<1x64xf32>
    tpu.vector_store %arg15[%swap3A_307, %swap3A_308], %slice3A_306 {strides = array<i32>} : memref<4096x64xf32, #tpu.memory_space<vmem>>, vector<1x64xf32>,
    %slice3A_310 = vector.extract_strided_slice %add3A_126 {offsets = [13, 0], sizes = [1, 256], strides = [1, 1]} : vector<64x256xf32> to vector<1x256xf32>
    %swap3A_311 = arith.index_cast %add3A_305 : i32 to index
    %swap3A_312 = arith.constant 0 : index
    %swap3A_313 = vector.load %arg16[%swap3A_311, %swap3A_312] : memref<4096x256xf32, #tpu.memory_space<vmem>>, vector<1x256xf32>
    tpu.vector_store %arg16[%swap3A_311, %swap3A_312], %slice3A_310 {strides = array<i32>} : memref<4096x256xf32, #tpu.memory_space<vmem>>, vector<1x256xf32>,
    %get3A_314 = arith.constant 14 : index
    %get3A_315 = arith.constant 0 : index
    %get3A_316 = memref.load %arg1[%get3A_314, %get3A_315] : memref<64x1xi32, #tpu.memory_space<smem>>
    %add3A_317 = arith.constant 896 : i32
    %add3A_318 = arith.addi %add3A_317, %get3A_316 : i32
    %slice3A_319 = vector.extract_strided_slice %add3A_116 {offsets = [14, 0], sizes = [1, 64], strides = [1, 1]} : vector<64x64xf32> to vector<1x64xf32>
    %swap3A_320 = arith.index_cast %add3A_318 : i32 to index
    %swap3A_321 = arith.constant 0 : index
    %swap3A_322 = vector.load %arg15[%swap3A_320, %swap3A_321] : memref<4096x64xf32, #tpu.memory_space<vmem>>, vector<1x64xf32>
    tpu.vector_store %arg15[%swap3A_320, %swap3A_321], %slice3A_319 {strides = array<i32>} : memref<4096x64xf32, #tpu.memory_space<vmem>>, vector<1x64xf32>,
    %slice3A_323 = vector.extract_strided_slice %add3A_126 {offsets = [14, 0], sizes = [1, 256], strides = [1, 1]} : vector<64x256xf32> to vector<1x256xf32>
    %swap3A_324 = arith.index_cast %add3A_318 : i32 to index
    %swap3A_325 = arith.constant 0 : index
    %swap3A_326 = vector.load %arg16[%swap3A_324, %swap3A_325] : memref<4096x256xf32, #tpu.memory_space<vmem>>, vector<1x256xf32>
    tpu.vector_store %arg16[%swap3A_324, %swap3A_325], %slice3A_323 {strides = array<i32>} : memref<4096x256xf32, #tpu.memory_space<vmem>>, vector<1x256xf32>,
    %get3A_327 = arith.constant 15 : index
    %get3A_328 = arith.constant 0 : index
    %get3A_329 = memref.load %arg1[%get3A_327, %get3A_328] : memref<64x1xi32, #tpu.memory_space<smem>>
    %add3A_330 = arith.constant 960 : i32
    %add3A_331 = arith.addi %add3A_330, %get3A_329 : i32
    %slice3A_332 = vector.extract_strided_slice %add3A_116 {offsets = [15, 0], sizes = [1, 64], strides = [1, 1]} : vector<64x64xf32> to vector<1x64xf32>
    %swap3A_333 = arith.index_cast %add3A_331 : i32 to index
    %swap3A_334 = arith.constant 0 : index
    %swap3A_335 = vector.load %arg15[%swap3A_333, %swap3A_334] : memref<4096x64xf32, #tpu.memory_space<vmem>>, vector<1x64xf32>
    tpu.vector_store %arg15[%swap3A_333, %swap3A_334], %slice3A_332 {strides = array<i32>} : memref<4096x64xf32, #tpu.memory_space<vmem>>, vector<1x64xf32>,
    %slice3A_336 = vector.extract_strided_slice %add3A_126 {offsets = [15, 0], sizes = [1, 256], strides = [1, 1]} : vector<64x256xf32> to vector<1x256xf32>
    %swap3A_337 = arith.index_cast %add3A_331 : i32 to index
    %swap3A_338 = arith.constant 0 : index
    %swap3A_339 = vector.load %arg16[%swap3A_337, %swap3A_338] : memref<4096x256xf32, #tpu.memory_space<vmem>>, vector<1x256xf32>
    tpu.vector_store %arg16[%swap3A_337, %swap3A_338], %slice3A_336 {strides = array<i32>} : memref<4096x256xf32, #tpu.memory_space<vmem>>, vector<1x256xf32>,
    %get3A_340 = arith.constant 16 : index
    %get3A_341 = arith.constant 0 : index
    %get3A_342 = memref.load %arg1[%get3A_340, %get3A_341] : memref<64x1xi32, #tpu.memory_space<smem>>
    %add3A_343 = arith.constant 1024 : i32
    %add3A_344 = arith.addi %add3A_343, %get3A_342 : i32
    %slice3A_345 = vector.extract_strided_slice %add3A_116 {offsets = [16, 0], sizes = [1, 64], strides = [1, 1]} : vector<64x64xf32> to vector<1x64xf32>
    %swap3A_346 = arith.index_cast %add3A_344 : i32 to index
    %swap3A_347 = arith.constant 0 : index
    %swap3A_348 = vector.load %arg15[%swap3A_346, %swap3A_347] : memref<4096x64xf32, #tpu.memory_space<vmem>>, vector<1x64xf32>
    tpu.vector_store %arg15[%swap3A_346, %swap3A_347], %slice3A_345 {strides = array<i32>} : memref<4096x64xf32, #tpu.memory_space<vmem>>, vector<1x64xf32>,
    %slice3A_349 = vector.extract_strided_slice %add3A_126 {offsets = [16, 0], sizes = [1, 256], strides = [1, 1]} : vector<64x256xf32> to vector<1x256xf32>
    %swap3A_350 = arith.index_cast %add3A_344 : i32 to index
    %swap3A_351 = arith.constant 0 : index
    %swap3A_352 = vector.load %arg16[%swap3A_350, %swap3A_351] : memref<4096x256xf32, #tpu.memory_space<vmem>>, vector<1x256xf32>
    tpu.vector_store %arg16[%swap3A_350, %swap3A_351], %slice3A_349 {strides = array<i32>} : memref<4096x256xf32, #tpu.memory_space<vmem>>, vector<1x256xf32>,
    %get3A_353 = arith.constant 17 : index
    %get3A_354 = arith.constant 0 : index
    %get3A_355 = memref.load %arg1[%get3A_353, %get3A_354] : memref<64x1xi32, #tpu.memory_space<smem>>
    %add3A_356 = arith.constant 1088 : i32
    %add3A_357 = arith.addi %add3A_356, %get3A_355 : i32
    %slice3A_358 = vector.extract_strided_slice %add3A_116 {offsets = [17, 0], sizes = [1, 64], strides = [1, 1]} : vector<64x64xf32> to vector<1x64xf32>
    %swap3A_359 = arith.index_cast %add3A_357 : i32 to index
    %swap3A_360 = arith.constant 0 : index
    %swap3A_361 = vector.load %arg15[%swap3A_359, %swap3A_360] : memref<4096x64xf32, #tpu.memory_space<vmem>>, vector<1x64xf32>
    tpu.vector_store %arg15[%swap3A_359, %swap3A_360], %slice3A_358 {strides = array<i32>} : memref<4096x64xf32, #tpu.memory_space<vmem>>, vector<1x64xf32>,
    %slice3A_362 = vector.extract_strided_slice %add3A_126 {offsets = [17, 0], sizes = [1, 256], strides = [1, 1]} : vector<64x256xf32> to vector<1x256xf32>
    %swap3A_363 = arith.index_cast %add3A_357 : i32 to index
    %swap3A_364 = arith.constant 0 : index
    %swap3A_365 = vector.load %arg16[%swap3A_363, %swap3A_364] : memref<4096x256xf32, #tpu.memory_space<vmem>>, vector<1x256xf32>
    tpu.vector_store %arg16[%swap3A_363, %swap3A_364], %slice3A_362 {strides = array<i32>} : memref<4096x256xf32, #tpu.memory_space<vmem>>, vector<1x256xf32>,
    %get3A_366 = arith.constant 18 : index
    %get3A_367 = arith.constant 0 : index
    %get3A_368 = memref.load %arg1[%get3A_366, %get3A_367] : memref<64x1xi32, #tpu.memory_space<smem>>
    %add3A_369 = arith.constant 1152 : i32
    %add3A_370 = arith.addi %add3A_369, %get3A_368 : i32
    %slice3A_371 = vector.extract_strided_slice %add3A_116 {offsets = [18, 0], sizes = [1, 64], strides = [1, 1]} : vector<64x64xf32> to vector<1x64xf32>
    %swap3A_372 = arith.index_cast %add3A_370 : i32 to index
    %swap3A_373 = arith.constant 0 : index
    %swap3A_374 = vector.load %arg15[%swap3A_372, %swap3A_373] : memref<4096x64xf32, #tpu.memory_space<vmem>>, vector<1x64xf32>
    tpu.vector_store %arg15[%swap3A_372, %swap3A_373], %slice3A_371 {strides = array<i32>} : memref<4096x64xf32, #tpu.memory_space<vmem>>, vector<1x64xf32>,
    %slice3A_375 = vector.extract_strided_slice %add3A_126 {offsets = [18, 0], sizes = [1, 256], strides = [1, 1]} : vector<64x256xf32> to vector<1x256xf32>
    %swap3A_376 = arith.index_cast %add3A_370 : i32 to index
    %swap3A_377 = arith.constant 0 : index
    %swap3A_378 = vector.load %arg16[%swap3A_376, %swap3A_377] : memref<4096x256xf32, #tpu.memory_space<vmem>>, vector<1x256xf32>
    tpu.vector_store %arg16[%swap3A_376, %swap3A_377], %slice3A_375 {strides = array<i32>} : memref<4096x256xf32, #tpu.memory_space<vmem>>, vector<1x256xf32>,
    %get3A_379 = arith.constant 19 : index
    %get3A_380 = arith.constant 0 : index
    %get3A_381 = memref.load %arg1[%get3A_379, %get3A_380] : memref<64x1xi32, #tpu.memory_space<smem>>
    %add3A_382 = arith.constant 1216 : i32
    %add3A_383 = arith.addi %add3A_382, %get3A_381 : i32
    %slice3A_384 = vector.extract_strided_slice %add3A_116 {offsets = [19, 0], sizes = [1, 64], strides = [1, 1]} : vector<64x64xf32> to vector<1x64xf32>
    %swap3A_385 = arith.index_cast %add3A_383 : i32 to index
    %swap3A_386 = arith.constant 0 : index
    %swap3A_387 = vector.load %arg15[%swap3A_385, %swap3A_386] : memref<4096x64xf32, #tpu.memory_space<vmem>>, vector<1x64xf32>
    tpu.vector_store %arg15[%swap3A_385, %swap3A_386], %slice3A_384 {strides = array<i32>} : memref<4096x64xf32, #tpu.memory_space<vmem>>, vector<1x64xf32>,
    %slice3A_388 = vector.extract_strided_slice %add3A_126 {offsets = [19, 0], sizes = [1, 256], strides = [1, 1]} : vector<64x256xf32> to vector<1x256xf32>
    %swap3A_389 = arith.index_cast %add3A_383 : i32 to index
    %swap3A_390 = arith.constant 0 : index
    %swap3A_391 = vector.load %arg16[%swap3A_389, %swap3A_390] : memref<4096x256xf32, #tpu.memory_space<vmem>>, vector<1x256xf32>
    tpu.vector_store %arg16[%swap3A_389, %swap3A_390], %slice3A_388 {strides = array<i32>} : memref<4096x256xf32, #tpu.memory_space<vmem>>, vector<1x256xf32>,
    %get3A_392 = arith.constant 20 : index
    %get3A_393 = arith.constant 0 : index
    %get3A_394 = memref.load %arg1[%get3A_392, %get3A_393] : memref<64x1xi32, #tpu.memory_space<smem>>
    %add3A_395 = arith.constant 1280 : i32
    %add3A_396 = arith.addi %add3A_395, %get3A_394 : i32
    %slice3A_397 = vector.extract_strided_slice %add3A_116 {offsets = [20, 0], sizes = [1, 64], strides = [1, 1]} : vector<64x64xf32> to vector<1x64xf32>
    %swap3A_398 = arith.index_cast %add3A_396 : i32 to index
    %swap3A_399 = arith.constant 0 : index
    %swap3A_400 = vector.load %arg15[%swap3A_398, %swap3A_399] : memref<4096x64xf32, #tpu.memory_space<vmem>>, vector<1x64xf32>
    tpu.vector_store %arg15[%swap3A_398, %swap3A_399], %slice3A_397 {strides = array<i32>} : memref<4096x64xf32, #tpu.memory_space<vmem>>, vector<1x64xf32>,
    %slice3A_401 = vector.extract_strided_slice %add3A_126 {offsets = [20, 0], sizes = [1, 256], strides = [1, 1]} : vector<64x256xf32> to vector<1x256xf32>
    %swap3A_402 = arith.index_cast %add3A_396 : i32 to index
    %swap3A_403 = arith.constant 0 : index
    %swap3A_404 = vector.load %arg16[%swap3A_402, %swap3A_403] : memref<4096x256xf32, #tpu.memory_space<vmem>>, vector<1x256xf32>
    tpu.vector_store %arg16[%swap3A_402, %swap3A_403], %slice3A_401 {strides = array<i32>} : memref<4096x256xf32, #tpu.memory_space<vmem>>, vector<1x256xf32>,
    %get3A_405 = arith.constant 21 : index
    %get3A_406 = arith.constant 0 : index
    %get3A_407 = memref.load %arg1[%get3A_405, %get3A_406] : memref<64x1xi32, #tpu.memory_space<smem>>
    %add3A_408 = arith.constant 1344 : i32
    %add3A_409 = arith.addi %add3A_408, %get3A_407 : i32
    %slice3A_410 = vector.extract_strided_slice %add3A_116 {offsets = [21, 0], sizes = [1, 64], strides = [1, 1]} : vector<64x64xf32> to vector<1x64xf32>
    %swap3A_411 = arith.index_cast %add3A_409 : i32 to index
    %swap3A_412 = arith.constant 0 : index
    %swap3A_413 = vector.load %arg15[%swap3A_411, %swap3A_412] : memref<4096x64xf32, #tpu.memory_space<vmem>>, vector<1x64xf32>
    tpu.vector_store %arg15[%swap3A_411, %swap3A_412], %slice3A_410 {strides = array<i32>} : memref<4096x64xf32, #tpu.memory_space<vmem>>, vector<1x64xf32>,
    %slice3A_414 = vector.extract_strided_slice %add3A_126 {offsets = [21, 0], sizes = [1, 256], strides = [1, 1]} : vector<64x256xf32> to vector<1x256xf32>
    %swap3A_415 = arith.index_cast %add3A_409 : i32 to index
    %swap3A_416 = arith.constant 0 : index
    %swap3A_417 = vector.load %arg16[%swap3A_415, %swap3A_416] : memref<4096x256xf32, #tpu.memory_space<vmem>>, vector<1x256xf32>
    tpu.vector_store %arg16[%swap3A_415, %swap3A_416], %slice3A_414 {strides = array<i32>} : memref<4096x256xf32, #tpu.memory_space<vmem>>, vector<1x256xf32>,
    %get3A_418 = arith.constant 22 : index
    %get3A_419 = arith.constant 0 : index
    %get3A_420 = memref.load %arg1[%get3A_418, %get3A_419] : memref<64x1xi32, #tpu.memory_space<smem>>
    %add3A_421 = arith.constant 1408 : i32
    %add3A_422 = arith.addi %add3A_421, %get3A_420 : i32
    %slice3A_423 = vector.extract_strided_slice %add3A_116 {offsets = [22, 0], sizes = [1, 64], strides = [1, 1]} : vector<64x64xf32> to vector<1x64xf32>
    %swap3A_424 = arith.index_cast %add3A_422 : i32 to index
    %swap3A_425 = arith.constant 0 : index
    %swap3A_426 = vector.load %arg15[%swap3A_424, %swap3A_425] : memref<4096x64xf32, #tpu.memory_space<vmem>>, vector<1x64xf32>
    tpu.vector_store %arg15[%swap3A_424, %swap3A_425], %slice3A_423 {strides = array<i32>} : memref<4096x64xf32, #tpu.memory_space<vmem>>, vector<1x64xf32>,
    %slice3A_427 = vector.extract_strided_slice %add3A_126 {offsets = [22, 0], sizes = [1, 256], strides = [1, 1]} : vector<64x256xf32> to vector<1x256xf32>
    %swap3A_428 = arith.index_cast %add3A_422 : i32 to index
    %swap3A_429 = arith.constant 0 : index
    %swap3A_430 = vector.load %arg16[%swap3A_428, %swap3A_429] : memref<4096x256xf32, #tpu.memory_space<vmem>>, vector<1x256xf32>
    tpu.vector_store %arg16[%swap3A_428, %swap3A_429], %slice3A_427 {strides = array<i32>} : memref<4096x256xf32, #tpu.memory_space<vmem>>, vector<1x256xf32>,
    %get3A_431 = arith.constant 23 : index
    %get3A_432 = arith.constant 0 : index
    %get3A_433 = memref.load %arg1[%get3A_431, %get3A_432] : memref<64x1xi32, #tpu.memory_space<smem>>
    %add3A_434 = arith.constant 1472 : i32
    %add3A_435 = arith.addi %add3A_434, %get3A_433 : i32
    %slice3A_436 = vector.extract_strided_slice %add3A_116 {offsets = [23, 0], sizes = [1, 64], strides = [1, 1]} : vector<64x64xf32> to vector<1x64xf32>
    %swap3A_437 = arith.index_cast %add3A_435 : i32 to index
    %swap3A_438 = arith.constant 0 : index
    %swap3A_439 = vector.load %arg15[%swap3A_437, %swap3A_438] : memref<4096x64xf32, #tpu.memory_space<vmem>>, vector<1x64xf32>
    tpu.vector_store %arg15[%swap3A_437, %swap3A_438], %slice3A_436 {strides = array<i32>} : memref<4096x64xf32, #tpu.memory_space<vmem>>, vector<1x64xf32>,
    %slice3A_440 = vector.extract_strided_slice %add3A_126 {offsets = [23, 0], sizes = [1, 256], strides = [1, 1]} : vector<64x256xf32> to vector<1x256xf32>
    %swap3A_441 = arith.index_cast %add3A_435 : i32 to index
    %swap3A_442 = arith.constant 0 : index
    %swap3A_443 = vector.load %arg16[%swap3A_441, %swap3A_442] : memref<4096x256xf32, #tpu.memory_space<vmem>>, vector<1x256xf32>
    tpu.vector_store %arg16[%swap3A_441, %swap3A_442], %slice3A_440 {strides = array<i32>} : memref<4096x256xf32, #tpu.memory_space<vmem>>, vector<1x256xf32>,
    %get3A_444 = arith.constant 24 : index
    %get3A_445 = arith.constant 0 : index
    %get3A_446 = memref.load %arg1[%get3A_444, %get3A_445] : memref<64x1xi32, #tpu.memory_space<smem>>
    %add3A_447 = arith.constant 1536 : i32
    %add3A_448 = arith.addi %add3A_447, %get3A_446 : i32
    %slice3A_449 = vector.extract_strided_slice %add3A_116 {offsets = [24, 0], sizes = [1, 64], strides = [1, 1]} : vector<64x64xf32> to vector<1x64xf32>
    %swap3A_450 = arith.index_cast %add3A_448 : i32 to index
    %swap3A_451 = arith.constant 0 : index
    %swap3A_452 = vector.load %arg15[%swap3A_450, %swap3A_451] : memref<4096x64xf32, #tpu.memory_space<vmem>>, vector<1x64xf32>
    tpu.vector_store %arg15[%swap3A_450, %swap3A_451], %slice3A_449 {strides = array<i32>} : memref<4096x64xf32, #tpu.memory_space<vmem>>, vector<1x64xf32>,
    %slice3A_453 = vector.extract_strided_slice %add3A_126 {offsets = [24, 0], sizes = [1, 256], strides = [1, 1]} : vector<64x256xf32> to vector<1x256xf32>
    %swap3A_454 = arith.index_cast %add3A_448 : i32 to index
    %swap3A_455 = arith.constant 0 : index
    %swap3A_456 = vector.load %arg16[%swap3A_454, %swap3A_455] : memref<4096x256xf32, #tpu.memory_space<vmem>>, vector<1x256xf32>
    tpu.vector_store %arg16[%swap3A_454, %swap3A_455], %slice3A_453 {strides = array<i32>} : memref<4096x256xf32, #tpu.memory_space<vmem>>, vector<1x256xf32>,
    %get3A_457 = arith.constant 25 : index
    %get3A_458 = arith.constant 0 : index
    %get3A_459 = memref.load %arg1[%get3A_457, %get3A_458] : memref<64x1xi32, #tpu.memory_space<smem>>
    %add3A_460 = arith.constant 1600 : i32
    %add3A_461 = arith.addi %add3A_460, %get3A_459 : i32
    %slice3A_462 = vector.extract_strided_slice %add3A_116 {offsets = [25, 0], sizes = [1, 64], strides = [1, 1]} : vector<64x64xf32> to vector<1x64xf32>
    %swap3A_463 = arith.index_cast %add3A_461 : i32 to index
    %swap3A_464 = arith.constant 0 : index
    %swap3A_465 = vector.load %arg15[%swap3A_463, %swap3A_464] : memref<4096x64xf32, #tpu.memory_space<vmem>>, vector<1x64xf32>
    tpu.vector_store %arg15[%swap3A_463, %swap3A_464], %slice3A_462 {strides = array<i32>} : memref<4096x64xf32, #tpu.memory_space<vmem>>, vector<1x64xf32>,
    %slice3A_466 = vector.extract_strided_slice %add3A_126 {offsets = [25, 0], sizes = [1, 256], strides = [1, 1]} : vector<64x256xf32> to vector<1x256xf32>
    %swap3A_467 = arith.index_cast %add3A_461 : i32 to index
    %swap3A_468 = arith.constant 0 : index
    %swap3A_469 = vector.load %arg16[%swap3A_467, %swap3A_468] : memref<4096x256xf32, #tpu.memory_space<vmem>>, vector<1x256xf32>
    tpu.vector_store %arg16[%swap3A_467, %swap3A_468], %slice3A_466 {strides = array<i32>} : memref<4096x256xf32, #tpu.memory_space<vmem>>, vector<1x256xf32>,
    %get3A_470 = arith.constant 26 : index
    %get3A_471 = arith.constant 0 : index
    %get3A_472 = memref.load %arg1[%get3A_470, %get3A_471] : memref<64x1xi32, #tpu.memory_space<smem>>
    %add3A_473 = arith.constant 1664 : i32
    %add3A_474 = arith.addi %add3A_473, %get3A_472 : i32
    %slice3A_475 = vector.extract_strided_slice %add3A_116 {offsets = [26, 0], sizes = [1, 64], strides = [1, 1]} : vector<64x64xf32> to vector<1x64xf32>
    %swap3A_476 = arith.index_cast %add3A_474 : i32 to index
    %swap3A_477 = arith.constant 0 : index
    %swap3A_478 = vector.load %arg15[%swap3A_476, %swap3A_477] : memref<4096x64xf32, #tpu.memory_space<vmem>>, vector<1x64xf32>
    tpu.vector_store %arg15[%swap3A_476, %swap3A_477], %slice3A_475 {strides = array<i32>} : memref<4096x64xf32, #tpu.memory_space<vmem>>, vector<1x64xf32>,
    %slice3A_479 = vector.extract_strided_slice %add3A_126 {offsets = [26, 0], sizes = [1, 256], strides = [1, 1]} : vector<64x256xf32> to vector<1x256xf32>
    %swap3A_480 = arith.index_cast %add3A_474 : i32 to index
    %swap3A_481 = arith.constant 0 : index
    %swap3A_482 = vector.load %arg16[%swap3A_480, %swap3A_481] : memref<4096x256xf32, #tpu.memory_space<vmem>>, vector<1x256xf32>
    tpu.vector_store %arg16[%swap3A_480, %swap3A_481], %slice3A_479 {strides = array<i32>} : memref<4096x256xf32, #tpu.memory_space<vmem>>, vector<1x256xf32>,
    %get3A_483 = arith.constant 27 : index
    %get3A_484 = arith.constant 0 : index
    %get3A_485 = memref.load %arg1[%get3A_483, %get3A_484] : memref<64x1xi32, #tpu.memory_space<smem>>
    %add3A_486 = arith.constant 1728 : i32
    %add3A_487 = arith.addi %add3A_486, %get3A_485 : i32
    %slice3A_488 = vector.extract_strided_slice %add3A_116 {offsets = [27, 0], sizes = [1, 64], strides = [1, 1]} : vector<64x64xf32> to vector<1x64xf32>
    %swap3A_489 = arith.index_cast %add3A_487 : i32 to index
    %swap3A_490 = arith.constant 0 : index
    %swap3A_491 = vector.load %arg15[%swap3A_489, %swap3A_490] : memref<4096x64xf32, #tpu.memory_space<vmem>>, vector<1x64xf32>
    tpu.vector_store %arg15[%swap3A_489, %swap3A_490], %slice3A_488 {strides = array<i32>} : memref<4096x64xf32, #tpu.memory_space<vmem>>, vector<1x64xf32>,
    %slice3A_492 = vector.extract_strided_slice %add3A_126 {offsets = [27, 0], sizes = [1, 256], strides = [1, 1]} : vector<64x256xf32> to vector<1x256xf32>
    %swap3A_493 = arith.index_cast %add3A_487 : i32 to index
    %swap3A_494 = arith.constant 0 : index
    %swap3A_495 = vector.load %arg16[%swap3A_493, %swap3A_494] : memref<4096x256xf32, #tpu.memory_space<vmem>>, vector<1x256xf32>
    tpu.vector_store %arg16[%swap3A_493, %swap3A_494], %slice3A_492 {strides = array<i32>} : memref<4096x256xf32, #tpu.memory_space<vmem>>, vector<1x256xf32>,
    %get3A_496 = arith.constant 28 : index
    %get3A_497 = arith.constant 0 : index
    %get3A_498 = memref.load %arg1[%get3A_496, %get3A_497] : memref<64x1xi32, #tpu.memory_space<smem>>
    %add3A_499 = arith.constant 1792 : i32
    %add3A_500 = arith.addi %add3A_499, %get3A_498 : i32
    %slice3A_501 = vector.extract_strided_slice %add3A_116 {offsets = [28, 0], sizes = [1, 64], strides = [1, 1]} : vector<64x64xf32> to vector<1x64xf32>
    %swap3A_502 = arith.index_cast %add3A_500 : i32 to index
    %swap3A_503 = arith.constant 0 : index
    %swap3A_504 = vector.load %arg15[%swap3A_502, %swap3A_503] : memref<4096x64xf32, #tpu.memory_space<vmem>>, vector<1x64xf32>
    tpu.vector_store %arg15[%swap3A_502, %swap3A_503], %slice3A_501 {strides = array<i32>} : memref<4096x64xf32, #tpu.memory_space<vmem>>, vector<1x64xf32>,
    %slice3A_505 = vector.extract_strided_slice %add3A_126 {offsets = [28, 0], sizes = [1, 256], strides = [1, 1]} : vector<64x256xf32> to vector<1x256xf32>
    %swap3A_506 = arith.index_cast %add3A_500 : i32 to index
    %swap3A_507 = arith.constant 0 : index
    %swap3A_508 = vector.load %arg16[%swap3A_506, %swap3A_507] : memref<4096x256xf32, #tpu.memory_space<vmem>>, vector<1x256xf32>
    tpu.vector_store %arg16[%swap3A_506, %swap3A_507], %slice3A_505 {strides = array<i32>} : memref<4096x256xf32, #tpu.memory_space<vmem>>, vector<1x256xf32>,
    %get3A_509 = arith.constant 29 : index
    %get3A_510 = arith.constant 0 : index
    %get3A_511 = memref.load %arg1[%get3A_509, %get3A_510] : memref<64x1xi32, #tpu.memory_space<smem>>
    %add3A_512 = arith.constant 1856 : i32
    %add3A_513 = arith.addi %add3A_512, %get3A_511 : i32
    %slice3A_514 = vector.extract_strided_slice %add3A_116 {offsets = [29, 0], sizes = [1, 64], strides = [1, 1]} : vector<64x64xf32> to vector<1x64xf32>
    %swap3A_515 = arith.index_cast %add3A_513 : i32 to index
    %swap3A_516 = arith.constant 0 : index
    %swap3A_517 = vector.load %arg15[%swap3A_515, %swap3A_516] : memref<4096x64xf32, #tpu.memory_space<vmem>>, vector<1x64xf32>
    tpu.vector_store %arg15[%swap3A_515, %swap3A_516], %slice3A_514 {strides = array<i32>} : memref<4096x64xf32, #tpu.memory_space<vmem>>, vector<1x64xf32>,
    %slice3A_518 = vector.extract_strided_slice %add3A_126 {offsets = [29, 0], sizes = [1, 256], strides = [1, 1]} : vector<64x256xf32> to vector<1x256xf32>
    %swap3A_519 = arith.index_cast %add3A_513 : i32 to index
    %swap3A_520 = arith.constant 0 : index
    %swap3A_521 = vector.load %arg16[%swap3A_519, %swap3A_520] : memref<4096x256xf32, #tpu.memory_space<vmem>>, vector<1x256xf32>
    tpu.vector_store %arg16[%swap3A_519, %swap3A_520], %slice3A_518 {strides = array<i32>} : memref<4096x256xf32, #tpu.memory_space<vmem>>, vector<1x256xf32>,
    %get3A_522 = arith.constant 30 : index
    %get3A_523 = arith.constant 0 : index
    %get3A_524 = memref.load %arg1[%get3A_522, %get3A_523] : memref<64x1xi32, #tpu.memory_space<smem>>
    %add3A_525 = arith.constant 1920 : i32
    %add3A_526 = arith.addi %add3A_525, %get3A_524 : i32
    %slice3A_527 = vector.extract_strided_slice %add3A_116 {offsets = [30, 0], sizes = [1, 64], strides = [1, 1]} : vector<64x64xf32> to vector<1x64xf32>
    %swap3A_528 = arith.index_cast %add3A_526 : i32 to index
    %swap3A_529 = arith.constant 0 : index
    %swap3A_530 = vector.load %arg15[%swap3A_528, %swap3A_529] : memref<4096x64xf32, #tpu.memory_space<vmem>>, vector<1x64xf32>
    tpu.vector_store %arg15[%swap3A_528, %swap3A_529], %slice3A_527 {strides = array<i32>} : memref<4096x64xf32, #tpu.memory_space<vmem>>, vector<1x64xf32>,
    %slice3A_531 = vector.extract_strided_slice %add3A_126 {offsets = [30, 0], sizes = [1, 256], strides = [1, 1]} : vector<64x256xf32> to vector<1x256xf32>
    %swap3A_532 = arith.index_cast %add3A_526 : i32 to index
    %swap3A_533 = arith.constant 0 : index
    %swap3A_534 = vector.load %arg16[%swap3A_532, %swap3A_533] : memref<4096x256xf32, #tpu.memory_space<vmem>>, vector<1x256xf32>
    tpu.vector_store %arg16[%swap3A_532, %swap3A_533], %slice3A_531 {strides = array<i32>} : memref<4096x256xf32, #tpu.memory_space<vmem>>, vector<1x256xf32>,
    %get3A_535 = arith.constant 31 : index
    %get3A_536 = arith.constant 0 : index
    %get3A_537 = memref.load %arg1[%get3A_535, %get3A_536] : memref<64x1xi32, #tpu.memory_space<smem>>
    %add3A_538 = arith.constant 1984 : i32
    %add3A_539 = arith.addi %add3A_538, %get3A_537 : i32
    %slice3A_540 = vector.extract_strided_slice %add3A_116 {offsets = [31, 0], sizes = [1, 64], strides = [1, 1]} : vector<64x64xf32> to vector<1x64xf32>
    %swap3A_541 = arith.index_cast %add3A_539 : i32 to index
    %swap3A_542 = arith.constant 0 : index
    %swap3A_543 = vector.load %arg15[%swap3A_541, %swap3A_542] : memref<4096x64xf32, #tpu.memory_space<vmem>>, vector<1x64xf32>
    tpu.vector_store %arg15[%swap3A_541, %swap3A_542], %slice3A_540 {strides = array<i32>} : memref<4096x64xf32, #tpu.memory_space<vmem>>, vector<1x64xf32>,
    %slice3A_544 = vector.extract_strided_slice %add3A_126 {offsets = [31, 0], sizes = [1, 256], strides = [1, 1]} : vector<64x256xf32> to vector<1x256xf32>
    %swap3A_545 = arith.index_cast %add3A_539 : i32 to index
    %swap3A_546 = arith.constant 0 : index
    %swap3A_547 = vector.load %arg16[%swap3A_545, %swap3A_546] : memref<4096x256xf32, #tpu.memory_space<vmem>>, vector<1x256xf32>
    tpu.vector_store %arg16[%swap3A_545, %swap3A_546], %slice3A_544 {strides = array<i32>} : memref<4096x256xf32, #tpu.memory_space<vmem>>, vector<1x256xf32>,
    %get3A_548 = arith.constant 32 : index
    %get3A_549 = arith.constant 0 : index
    %get3A_550 = memref.load %arg1[%get3A_548, %get3A_549] : memref<64x1xi32, #tpu.memory_space<smem>>
    %add3A_551 = arith.constant 2048 : i32
    %add3A_552 = arith.addi %add3A_551, %get3A_550 : i32
    %slice3A_553 = vector.extract_strided_slice %add3A_116 {offsets = [32, 0], sizes = [1, 64], strides = [1, 1]} : vector<64x64xf32> to vector<1x64xf32>
    %swap3A_554 = arith.index_cast %add3A_552 : i32 to index
    %swap3A_555 = arith.constant 0 : index
    %swap3A_556 = vector.load %arg15[%swap3A_554, %swap3A_555] : memref<4096x64xf32, #tpu.memory_space<vmem>>, vector<1x64xf32>
    tpu.vector_store %arg15[%swap3A_554, %swap3A_555], %slice3A_553 {strides = array<i32>} : memref<4096x64xf32, #tpu.memory_space<vmem>>, vector<1x64xf32>,
    %slice3A_557 = vector.extract_strided_slice %add3A_126 {offsets = [32, 0], sizes = [1, 256], strides = [1, 1]} : vector<64x256xf32> to vector<1x256xf32>
    %swap3A_558 = arith.index_cast %add3A_552 : i32 to index
    %swap3A_559 = arith.constant 0 : index
    %swap3A_560 = vector.load %arg16[%swap3A_558, %swap3A_559] : memref<4096x256xf32, #tpu.memory_space<vmem>>, vector<1x256xf32>
    tpu.vector_store %arg16[%swap3A_558, %swap3A_559], %slice3A_557 {strides = array<i32>} : memref<4096x256xf32, #tpu.memory_space<vmem>>, vector<1x256xf32>,
    %get3A_561 = arith.constant 33 : index
    %get3A_562 = arith.constant 0 : index
    %get3A_563 = memref.load %arg1[%get3A_561, %get3A_562] : memref<64x1xi32, #tpu.memory_space<smem>>
    %add3A_564 = arith.constant 2112 : i32
    %add3A_565 = arith.addi %add3A_564, %get3A_563 : i32
    %slice3A_566 = vector.extract_strided_slice %add3A_116 {offsets = [33, 0], sizes = [1, 64], strides = [1, 1]} : vector<64x64xf32> to vector<1x64xf32>
    %swap3A_567 = arith.index_cast %add3A_565 : i32 to index
    %swap3A_568 = arith.constant 0 : index
    %swap3A_569 = vector.load %arg15[%swap3A_567, %swap3A_568] : memref<4096x64xf32, #tpu.memory_space<vmem>>, vector<1x64xf32>
    tpu.vector_store %arg15[%swap3A_567, %swap3A_568], %slice3A_566 {strides = array<i32>} : memref<4096x64xf32, #tpu.memory_space<vmem>>, vector<1x64xf32>,
    %slice3A_570 = vector.extract_strided_slice %add3A_126 {offsets = [33, 0], sizes = [1, 256], strides = [1, 1]} : vector<64x256xf32> to vector<1x256xf32>
    %swap3A_571 = arith.index_cast %add3A_565 : i32 to index
    %swap3A_572 = arith.constant 0 : index
    %swap3A_573 = vector.load %arg16[%swap3A_571, %swap3A_572] : memref<4096x256xf32, #tpu.memory_space<vmem>>, vector<1x256xf32>
    tpu.vector_store %arg16[%swap3A_571, %swap3A_572], %slice3A_570 {strides = array<i32>} : memref<4096x256xf32, #tpu.memory_space<vmem>>, vector<1x256xf32>,
    %get3A_574 = arith.constant 34 : index
    %get3A_575 = arith.constant 0 : index
    %get3A_576 = memref.load %arg1[%get3A_574, %get3A_575] : memref<64x1xi32, #tpu.memory_space<smem>>
    %add3A_577 = arith.constant 2176 : i32
    %add3A_578 = arith.addi %add3A_577, %get3A_576 : i32
    %slice3A_579 = vector.extract_strided_slice %add3A_116 {offsets = [34, 0], sizes = [1, 64], strides = [1, 1]} : vector<64x64xf32> to vector<1x64xf32>
    %swap3A_580 = arith.index_cast %add3A_578 : i32 to index
    %swap3A_581 = arith.constant 0 : index
    %swap3A_582 = vector.load %arg15[%swap3A_580, %swap3A_581] : memref<4096x64xf32, #tpu.memory_space<vmem>>, vector<1x64xf32>
    tpu.vector_store %arg15[%swap3A_580, %swap3A_581], %slice3A_579 {strides = array<i32>} : memref<4096x64xf32, #tpu.memory_space<vmem>>, vector<1x64xf32>,
    %slice3A_583 = vector.extract_strided_slice %add3A_126 {offsets = [34, 0], sizes = [1, 256], strides = [1, 1]} : vector<64x256xf32> to vector<1x256xf32>
    %swap3A_584 = arith.index_cast %add3A_578 : i32 to index
    %swap3A_585 = arith.constant 0 : index
    %swap3A_586 = vector.load %arg16[%swap3A_584, %swap3A_585] : memref<4096x256xf32, #tpu.memory_space<vmem>>, vector<1x256xf32>
    tpu.vector_store %arg16[%swap3A_584, %swap3A_585], %slice3A_583 {strides = array<i32>} : memref<4096x256xf32, #tpu.memory_space<vmem>>, vector<1x256xf32>,
    %get3A_587 = arith.constant 35 : index
    %get3A_588 = arith.constant 0 : index
    %get3A_589 = memref.load %arg1[%get3A_587, %get3A_588] : memref<64x1xi32, #tpu.memory_space<smem>>
    %add3A_590 = arith.constant 2240 : i32
    %add3A_591 = arith.addi %add3A_590, %get3A_589 : i32
    %slice3A_592 = vector.extract_strided_slice %add3A_116 {offsets = [35, 0], sizes = [1, 64], strides = [1, 1]} : vector<64x64xf32> to vector<1x64xf32>
    %swap3A_593 = arith.index_cast %add3A_591 : i32 to index
    %swap3A_594 = arith.constant 0 : index
    %swap3A_595 = vector.load %arg15[%swap3A_593, %swap3A_594] : memref<4096x64xf32, #tpu.memory_space<vmem>>, vector<1x64xf32>
    tpu.vector_store %arg15[%swap3A_593, %swap3A_594], %slice3A_592 {strides = array<i32>} : memref<4096x64xf32, #tpu.memory_space<vmem>>, vector<1x64xf32>,
    %slice3A_596 = vector.extract_strided_slice %add3A_126 {offsets = [35, 0], sizes = [1, 256], strides = [1, 1]} : vector<64x256xf32> to vector<1x256xf32>
    %swap3A_597 = arith.index_cast %add3A_591 : i32 to index
    %swap3A_598 = arith.constant 0 : index
    %swap3A_599 = vector.load %arg16[%swap3A_597, %swap3A_598] : memref<4096x256xf32, #tpu.memory_space<vmem>>, vector<1x256xf32>
    tpu.vector_store %arg16[%swap3A_597, %swap3A_598], %slice3A_596 {strides = array<i32>} : memref<4096x256xf32, #tpu.memory_space<vmem>>, vector<1x256xf32>,
    %get3A_600 = arith.constant 36 : index
    %get3A_601 = arith.constant 0 : index
    %get3A_602 = memref.load %arg1[%get3A_600, %get3A_601] : memref<64x1xi32, #tpu.memory_space<smem>>
    %add3A_603 = arith.constant 2304 : i32
    %add3A_604 = arith.addi %add3A_603, %get3A_602 : i32
    %slice3A_605 = vector.extract_strided_slice %add3A_116 {offsets = [36, 0], sizes = [1, 64], strides = [1, 1]} : vector<64x64xf32> to vector<1x64xf32>
    %swap3A_606 = arith.index_cast %add3A_604 : i32 to index
    %swap3A_607 = arith.constant 0 : index
    %swap3A_608 = vector.load %arg15[%swap3A_606, %swap3A_607] : memref<4096x64xf32, #tpu.memory_space<vmem>>, vector<1x64xf32>
    tpu.vector_store %arg15[%swap3A_606, %swap3A_607], %slice3A_605 {strides = array<i32>} : memref<4096x64xf32, #tpu.memory_space<vmem>>, vector<1x64xf32>,
    %slice3A_609 = vector.extract_strided_slice %add3A_126 {offsets = [36, 0], sizes = [1, 256], strides = [1, 1]} : vector<64x256xf32> to vector<1x256xf32>
    %swap3A_610 = arith.index_cast %add3A_604 : i32 to index
    %swap3A_611 = arith.constant 0 : index
    %swap3A_612 = vector.load %arg16[%swap3A_610, %swap3A_611] : memref<4096x256xf32, #tpu.memory_space<vmem>>, vector<1x256xf32>
    tpu.vector_store %arg16[%swap3A_610, %swap3A_611], %slice3A_609 {strides = array<i32>} : memref<4096x256xf32, #tpu.memory_space<vmem>>, vector<1x256xf32>,
    %get3A_613 = arith.constant 37 : index
    %get3A_614 = arith.constant 0 : index
    %get3A_615 = memref.load %arg1[%get3A_613, %get3A_614] : memref<64x1xi32, #tpu.memory_space<smem>>
    %add3A_616 = arith.constant 2368 : i32
    %add3A_617 = arith.addi %add3A_616, %get3A_615 : i32
    %slice3A_618 = vector.extract_strided_slice %add3A_116 {offsets = [37, 0], sizes = [1, 64], strides = [1, 1]} : vector<64x64xf32> to vector<1x64xf32>
    %swap3A_619 = arith.index_cast %add3A_617 : i32 to index
    %swap3A_620 = arith.constant 0 : index
    %swap3A_621 = vector.load %arg15[%swap3A_619, %swap3A_620] : memref<4096x64xf32, #tpu.memory_space<vmem>>, vector<1x64xf32>
    tpu.vector_store %arg15[%swap3A_619, %swap3A_620], %slice3A_618 {strides = array<i32>} : memref<4096x64xf32, #tpu.memory_space<vmem>>, vector<1x64xf32>,
    %slice3A_622 = vector.extract_strided_slice %add3A_126 {offsets = [37, 0], sizes = [1, 256], strides = [1, 1]} : vector<64x256xf32> to vector<1x256xf32>
    %swap3A_623 = arith.index_cast %add3A_617 : i32 to index
    %swap3A_624 = arith.constant 0 : index
    %swap3A_625 = vector.load %arg16[%swap3A_623, %swap3A_624] : memref<4096x256xf32, #tpu.memory_space<vmem>>, vector<1x256xf32>
    tpu.vector_store %arg16[%swap3A_623, %swap3A_624], %slice3A_622 {strides = array<i32>} : memref<4096x256xf32, #tpu.memory_space<vmem>>, vector<1x256xf32>,
    %get3A_626 = arith.constant 38 : index
    %get3A_627 = arith.constant 0 : index
    %get3A_628 = memref.load %arg1[%get3A_626, %get3A_627] : memref<64x1xi32, #tpu.memory_space<smem>>
    %add3A_629 = arith.constant 2432 : i32
    %add3A_630 = arith.addi %add3A_629, %get3A_628 : i32
    %slice3A_631 = vector.extract_strided_slice %add3A_116 {offsets = [38, 0], sizes = [1, 64], strides = [1, 1]} : vector<64x64xf32> to vector<1x64xf32>
    %swap3A_632 = arith.index_cast %add3A_630 : i32 to index
    %swap3A_633 = arith.constant 0 : index
    %swap3A_634 = vector.load %arg15[%swap3A_632, %swap3A_633] : memref<4096x64xf32, #tpu.memory_space<vmem>>, vector<1x64xf32>
    tpu.vector_store %arg15[%swap3A_632, %swap3A_633], %slice3A_631 {strides = array<i32>} : memref<4096x64xf32, #tpu.memory_space<vmem>>, vector<1x64xf32>,
    %slice3A_635 = vector.extract_strided_slice %add3A_126 {offsets = [38, 0], sizes = [1, 256], strides = [1, 1]} : vector<64x256xf32> to vector<1x256xf32>
    %swap3A_636 = arith.index_cast %add3A_630 : i32 to index
    %swap3A_637 = arith.constant 0 : index
    %swap3A_638 = vector.load %arg16[%swap3A_636, %swap3A_637] : memref<4096x256xf32, #tpu.memory_space<vmem>>, vector<1x256xf32>
    tpu.vector_store %arg16[%swap3A_636, %swap3A_637], %slice3A_635 {strides = array<i32>} : memref<4096x256xf32, #tpu.memory_space<vmem>>, vector<1x256xf32>,
    %get3A_639 = arith.constant 39 : index
    %get3A_640 = arith.constant 0 : index
    %get3A_641 = memref.load %arg1[%get3A_639, %get3A_640] : memref<64x1xi32, #tpu.memory_space<smem>>
    %add3A_642 = arith.constant 2496 : i32
    %add3A_643 = arith.addi %add3A_642, %get3A_641 : i32
    %slice3A_644 = vector.extract_strided_slice %add3A_116 {offsets = [39, 0], sizes = [1, 64], strides = [1, 1]} : vector<64x64xf32> to vector<1x64xf32>
    %swap3A_645 = arith.index_cast %add3A_643 : i32 to index
    %swap3A_646 = arith.constant 0 : index
    %swap3A_647 = vector.load %arg15[%swap3A_645, %swap3A_646] : memref<4096x64xf32, #tpu.memory_space<vmem>>, vector<1x64xf32>
    tpu.vector_store %arg15[%swap3A_645, %swap3A_646], %slice3A_644 {strides = array<i32>} : memref<4096x64xf32, #tpu.memory_space<vmem>>, vector<1x64xf32>,
    %slice3A_648 = vector.extract_strided_slice %add3A_126 {offsets = [39, 0], sizes = [1, 256], strides = [1, 1]} : vector<64x256xf32> to vector<1x256xf32>
    %swap3A_649 = arith.index_cast %add3A_643 : i32 to index
    %swap3A_650 = arith.constant 0 : index
    %swap3A_651 = vector.load %arg16[%swap3A_649, %swap3A_650] : memref<4096x256xf32, #tpu.memory_space<vmem>>, vector<1x256xf32>
    tpu.vector_store %arg16[%swap3A_649, %swap3A_650], %slice3A_648 {strides = array<i32>} : memref<4096x256xf32, #tpu.memory_space<vmem>>, vector<1x256xf32>,
    %get3A_652 = arith.constant 40 : index
    %get3A_653 = arith.constant 0 : index
    %get3A_654 = memref.load %arg1[%get3A_652, %get3A_653] : memref<64x1xi32, #tpu.memory_space<smem>>
    %add3A_655 = arith.constant 2560 : i32
    %add3A_656 = arith.addi %add3A_655, %get3A_654 : i32
    %slice3A_657 = vector.extract_strided_slice %add3A_116 {offsets = [40, 0], sizes = [1, 64], strides = [1, 1]} : vector<64x64xf32> to vector<1x64xf32>
    %swap3A_658 = arith.index_cast %add3A_656 : i32 to index
    %swap3A_659 = arith.constant 0 : index
    %swap3A_660 = vector.load %arg15[%swap3A_658, %swap3A_659] : memref<4096x64xf32, #tpu.memory_space<vmem>>, vector<1x64xf32>
    tpu.vector_store %arg15[%swap3A_658, %swap3A_659], %slice3A_657 {strides = array<i32>} : memref<4096x64xf32, #tpu.memory_space<vmem>>, vector<1x64xf32>,
    %slice3A_661 = vector.extract_strided_slice %add3A_126 {offsets = [40, 0], sizes = [1, 256], strides = [1, 1]} : vector<64x256xf32> to vector<1x256xf32>
    %swap3A_662 = arith.index_cast %add3A_656 : i32 to index
    %swap3A_663 = arith.constant 0 : index
    %swap3A_664 = vector.load %arg16[%swap3A_662, %swap3A_663] : memref<4096x256xf32, #tpu.memory_space<vmem>>, vector<1x256xf32>
    tpu.vector_store %arg16[%swap3A_662, %swap3A_663], %slice3A_661 {strides = array<i32>} : memref<4096x256xf32, #tpu.memory_space<vmem>>, vector<1x256xf32>,
    %get3A_665 = arith.constant 41 : index
    %get3A_666 = arith.constant 0 : index
    %get3A_667 = memref.load %arg1[%get3A_665, %get3A_666] : memref<64x1xi32, #tpu.memory_space<smem>>
    %add3A_668 = arith.constant 2624 : i32
    %add3A_669 = arith.addi %add3A_668, %get3A_667 : i32
    %slice3A_670 = vector.extract_strided_slice %add3A_116 {offsets = [41, 0], sizes = [1, 64], strides = [1, 1]} : vector<64x64xf32> to vector<1x64xf32>
    %swap3A_671 = arith.index_cast %add3A_669 : i32 to index
    %swap3A_672 = arith.constant 0 : index
    %swap3A_673 = vector.load %arg15[%swap3A_671, %swap3A_672] : memref<4096x64xf32, #tpu.memory_space<vmem>>, vector<1x64xf32>
    tpu.vector_store %arg15[%swap3A_671, %swap3A_672], %slice3A_670 {strides = array<i32>} : memref<4096x64xf32, #tpu.memory_space<vmem>>, vector<1x64xf32>,
    %slice3A_674 = vector.extract_strided_slice %add3A_126 {offsets = [41, 0], sizes = [1, 256], strides = [1, 1]} : vector<64x256xf32> to vector<1x256xf32>
    %swap3A_675 = arith.index_cast %add3A_669 : i32 to index
    %swap3A_676 = arith.constant 0 : index
    %swap3A_677 = vector.load %arg16[%swap3A_675, %swap3A_676] : memref<4096x256xf32, #tpu.memory_space<vmem>>, vector<1x256xf32>
    tpu.vector_store %arg16[%swap3A_675, %swap3A_676], %slice3A_674 {strides = array<i32>} : memref<4096x256xf32, #tpu.memory_space<vmem>>, vector<1x256xf32>,
    %get3A_678 = arith.constant 42 : index
    %get3A_679 = arith.constant 0 : index
    %get3A_680 = memref.load %arg1[%get3A_678, %get3A_679] : memref<64x1xi32, #tpu.memory_space<smem>>
    %add3A_681 = arith.constant 2688 : i32
    %add3A_682 = arith.addi %add3A_681, %get3A_680 : i32
    %slice3A_683 = vector.extract_strided_slice %add3A_116 {offsets = [42, 0], sizes = [1, 64], strides = [1, 1]} : vector<64x64xf32> to vector<1x64xf32>
    %swap3A_684 = arith.index_cast %add3A_682 : i32 to index
    %swap3A_685 = arith.constant 0 : index
    %swap3A_686 = vector.load %arg15[%swap3A_684, %swap3A_685] : memref<4096x64xf32, #tpu.memory_space<vmem>>, vector<1x64xf32>
    tpu.vector_store %arg15[%swap3A_684, %swap3A_685], %slice3A_683 {strides = array<i32>} : memref<4096x64xf32, #tpu.memory_space<vmem>>, vector<1x64xf32>,
    %slice3A_687 = vector.extract_strided_slice %add3A_126 {offsets = [42, 0], sizes = [1, 256], strides = [1, 1]} : vector<64x256xf32> to vector<1x256xf32>
    %swap3A_688 = arith.index_cast %add3A_682 : i32 to index
    %swap3A_689 = arith.constant 0 : index
    %swap3A_690 = vector.load %arg16[%swap3A_688, %swap3A_689] : memref<4096x256xf32, #tpu.memory_space<vmem>>, vector<1x256xf32>
    tpu.vector_store %arg16[%swap3A_688, %swap3A_689], %slice3A_687 {strides = array<i32>} : memref<4096x256xf32, #tpu.memory_space<vmem>>, vector<1x256xf32>,
    %get3A_691 = arith.constant 43 : index
    %get3A_692 = arith.constant 0 : index
    %get3A_693 = memref.load %arg1[%get3A_691, %get3A_692] : memref<64x1xi32, #tpu.memory_space<smem>>
    %add3A_694 = arith.constant 2752 : i32
    %add3A_695 = arith.addi %add3A_694, %get3A_693 : i32
    %slice3A_696 = vector.extract_strided_slice %add3A_116 {offsets = [43, 0], sizes = [1, 64], strides = [1, 1]} : vector<64x64xf32> to vector<1x64xf32>
    %swap3A_697 = arith.index_cast %add3A_695 : i32 to index
    %swap3A_698 = arith.constant 0 : index
    %swap3A_699 = vector.load %arg15[%swap3A_697, %swap3A_698] : memref<4096x64xf32, #tpu.memory_space<vmem>>, vector<1x64xf32>
    tpu.vector_store %arg15[%swap3A_697, %swap3A_698], %slice3A_696 {strides = array<i32>} : memref<4096x64xf32, #tpu.memory_space<vmem>>, vector<1x64xf32>,
    %slice3A_700 = vector.extract_strided_slice %add3A_126 {offsets = [43, 0], sizes = [1, 256], strides = [1, 1]} : vector<64x256xf32> to vector<1x256xf32>
    %swap3A_701 = arith.index_cast %add3A_695 : i32 to index
    %swap3A_702 = arith.constant 0 : index
    %swap3A_703 = vector.load %arg16[%swap3A_701, %swap3A_702] : memref<4096x256xf32, #tpu.memory_space<vmem>>, vector<1x256xf32>
    tpu.vector_store %arg16[%swap3A_701, %swap3A_702], %slice3A_700 {strides = array<i32>} : memref<4096x256xf32, #tpu.memory_space<vmem>>, vector<1x256xf32>,
    %get3A_704 = arith.constant 44 : index
    %get3A_705 = arith.constant 0 : index
    %get3A_706 = memref.load %arg1[%get3A_704, %get3A_705] : memref<64x1xi32, #tpu.memory_space<smem>>
    %add3A_707 = arith.constant 2816 : i32
    %add3A_708 = arith.addi %add3A_707, %get3A_706 : i32
    %slice3A_709 = vector.extract_strided_slice %add3A_116 {offsets = [44, 0], sizes = [1, 64], strides = [1, 1]} : vector<64x64xf32> to vector<1x64xf32>
    %swap3A_710 = arith.index_cast %add3A_708 : i32 to index
    %swap3A_711 = arith.constant 0 : index
    %swap3A_712 = vector.load %arg15[%swap3A_710, %swap3A_711] : memref<4096x64xf32, #tpu.memory_space<vmem>>, vector<1x64xf32>
    tpu.vector_store %arg15[%swap3A_710, %swap3A_711], %slice3A_709 {strides = array<i32>} : memref<4096x64xf32, #tpu.memory_space<vmem>>, vector<1x64xf32>,
    %slice3A_713 = vector.extract_strided_slice %add3A_126 {offsets = [44, 0], sizes = [1, 256], strides = [1, 1]} : vector<64x256xf32> to vector<1x256xf32>
    %swap3A_714 = arith.index_cast %add3A_708 : i32 to index
    %swap3A_715 = arith.constant 0 : index
    %swap3A_716 = vector.load %arg16[%swap3A_714, %swap3A_715] : memref<4096x256xf32, #tpu.memory_space<vmem>>, vector<1x256xf32>
    tpu.vector_store %arg16[%swap3A_714, %swap3A_715], %slice3A_713 {strides = array<i32>} : memref<4096x256xf32, #tpu.memory_space<vmem>>, vector<1x256xf32>,
    %get3A_717 = arith.constant 45 : index
    %get3A_718 = arith.constant 0 : index
    %get3A_719 = memref.load %arg1[%get3A_717, %get3A_718] : memref<64x1xi32, #tpu.memory_space<smem>>
    %add3A_720 = arith.constant 2880 : i32
    %add3A_721 = arith.addi %add3A_720, %get3A_719 : i32
    %slice3A_722 = vector.extract_strided_slice %add3A_116 {offsets = [45, 0], sizes = [1, 64], strides = [1, 1]} : vector<64x64xf32> to vector<1x64xf32>
    %swap3A_723 = arith.index_cast %add3A_721 : i32 to index
    %swap3A_724 = arith.constant 0 : index
    %swap3A_725 = vector.load %arg15[%swap3A_723, %swap3A_724] : memref<4096x64xf32, #tpu.memory_space<vmem>>, vector<1x64xf32>
    tpu.vector_store %arg15[%swap3A_723, %swap3A_724], %slice3A_722 {strides = array<i32>} : memref<4096x64xf32, #tpu.memory_space<vmem>>, vector<1x64xf32>,
    %slice3A_726 = vector.extract_strided_slice %add3A_126 {offsets = [45, 0], sizes = [1, 256], strides = [1, 1]} : vector<64x256xf32> to vector<1x256xf32>
    %swap3A_727 = arith.index_cast %add3A_721 : i32 to index
    %swap3A_728 = arith.constant 0 : index
    %swap3A_729 = vector.load %arg16[%swap3A_727, %swap3A_728] : memref<4096x256xf32, #tpu.memory_space<vmem>>, vector<1x256xf32>
    tpu.vector_store %arg16[%swap3A_727, %swap3A_728], %slice3A_726 {strides = array<i32>} : memref<4096x256xf32, #tpu.memory_space<vmem>>, vector<1x256xf32>,
    %get3A_730 = arith.constant 46 : index
    %get3A_731 = arith.constant 0 : index
    %get3A_732 = memref.load %arg1[%get3A_730, %get3A_731] : memref<64x1xi32, #tpu.memory_space<smem>>
    %add3A_733 = arith.constant 2944 : i32
    %add3A_734 = arith.addi %add3A_733, %get3A_732 : i32
    %slice3A_735 = vector.extract_strided_slice %add3A_116 {offsets = [46, 0], sizes = [1, 64], strides = [1, 1]} : vector<64x64xf32> to vector<1x64xf32>
    %swap3A_736 = arith.index_cast %add3A_734 : i32 to index
    %swap3A_737 = arith.constant 0 : index
    %swap3A_738 = vector.load %arg15[%swap3A_736, %swap3A_737] : memref<4096x64xf32, #tpu.memory_space<vmem>>, vector<1x64xf32>
    tpu.vector_store %arg15[%swap3A_736, %swap3A_737], %slice3A_735 {strides = array<i32>} : memref<4096x64xf32, #tpu.memory_space<vmem>>, vector<1x64xf32>,
    %slice3A_739 = vector.extract_strided_slice %add3A_126 {offsets = [46, 0], sizes = [1, 256], strides = [1, 1]} : vector<64x256xf32> to vector<1x256xf32>
    %swap3A_740 = arith.index_cast %add3A_734 : i32 to index
    %swap3A_741 = arith.constant 0 : index
    %swap3A_742 = vector.load %arg16[%swap3A_740, %swap3A_741] : memref<4096x256xf32, #tpu.memory_space<vmem>>, vector<1x256xf32>
    tpu.vector_store %arg16[%swap3A_740, %swap3A_741], %slice3A_739 {strides = array<i32>} : memref<4096x256xf32, #tpu.memory_space<vmem>>, vector<1x256xf32>,
    %get3A_743 = arith.constant 47 : index
    %get3A_744 = arith.constant 0 : index
    %get3A_745 = memref.load %arg1[%get3A_743, %get3A_744] : memref<64x1xi32, #tpu.memory_space<smem>>
    %add3A_746 = arith.constant 3008 : i32
    %add3A_747 = arith.addi %add3A_746, %get3A_745 : i32
    %slice3A_748 = vector.extract_strided_slice %add3A_116 {offsets = [47, 0], sizes = [1, 64], strides = [1, 1]} : vector<64x64xf32> to vector<1x64xf32>
    %swap3A_749 = arith.index_cast %add3A_747 : i32 to index
    %swap3A_750 = arith.constant 0 : index
    %swap3A_751 = vector.load %arg15[%swap3A_749, %swap3A_750] : memref<4096x64xf32, #tpu.memory_space<vmem>>, vector<1x64xf32>
    tpu.vector_store %arg15[%swap3A_749, %swap3A_750], %slice3A_748 {strides = array<i32>} : memref<4096x64xf32, #tpu.memory_space<vmem>>, vector<1x64xf32>,
    %slice3A_752 = vector.extract_strided_slice %add3A_126 {offsets = [47, 0], sizes = [1, 256], strides = [1, 1]} : vector<64x256xf32> to vector<1x256xf32>
    %swap3A_753 = arith.index_cast %add3A_747 : i32 to index
    %swap3A_754 = arith.constant 0 : index
    %swap3A_755 = vector.load %arg16[%swap3A_753, %swap3A_754] : memref<4096x256xf32, #tpu.memory_space<vmem>>, vector<1x256xf32>
    tpu.vector_store %arg16[%swap3A_753, %swap3A_754], %slice3A_752 {strides = array<i32>} : memref<4096x256xf32, #tpu.memory_space<vmem>>, vector<1x256xf32>,
    %get3A_756 = arith.constant 48 : index
    %get3A_757 = arith.constant 0 : index
    %get3A_758 = memref.load %arg1[%get3A_756, %get3A_757] : memref<64x1xi32, #tpu.memory_space<smem>>
    %add3A_759 = arith.constant 3072 : i32
    %add3A_760 = arith.addi %add3A_759, %get3A_758 : i32
    %slice3A_761 = vector.extract_strided_slice %add3A_116 {offsets = [48, 0], sizes = [1, 64], strides = [1, 1]} : vector<64x64xf32> to vector<1x64xf32>
    %swap3A_762 = arith.index_cast %add3A_760 : i32 to index
    %swap3A_763 = arith.constant 0 : index
    %swap3A_764 = vector.load %arg15[%swap3A_762, %swap3A_763] : memref<4096x64xf32, #tpu.memory_space<vmem>>, vector<1x64xf32>
    tpu.vector_store %arg15[%swap3A_762, %swap3A_763], %slice3A_761 {strides = array<i32>} : memref<4096x64xf32, #tpu.memory_space<vmem>>, vector<1x64xf32>,
    %slice3A_765 = vector.extract_strided_slice %add3A_126 {offsets = [48, 0], sizes = [1, 256], strides = [1, 1]} : vector<64x256xf32> to vector<1x256xf32>
    %swap3A_766 = arith.index_cast %add3A_760 : i32 to index
    %swap3A_767 = arith.constant 0 : index
    %swap3A_768 = vector.load %arg16[%swap3A_766, %swap3A_767] : memref<4096x256xf32, #tpu.memory_space<vmem>>, vector<1x256xf32>
    tpu.vector_store %arg16[%swap3A_766, %swap3A_767], %slice3A_765 {strides = array<i32>} : memref<4096x256xf32, #tpu.memory_space<vmem>>, vector<1x256xf32>,
    %get3A_769 = arith.constant 49 : index
    %get3A_770 = arith.constant 0 : index
    %get3A_771 = memref.load %arg1[%get3A_769, %get3A_770] : memref<64x1xi32, #tpu.memory_space<smem>>
    %add3A_772 = arith.constant 3136 : i32
    %add3A_773 = arith.addi %add3A_772, %get3A_771 : i32
    %slice3A_774 = vector.extract_strided_slice %add3A_116 {offsets = [49, 0], sizes = [1, 64], strides = [1, 1]} : vector<64x64xf32> to vector<1x64xf32>
    %swap3A_775 = arith.index_cast %add3A_773 : i32 to index
    %swap3A_776 = arith.constant 0 : index
    %swap3A_777 = vector.load %arg15[%swap3A_775, %swap3A_776] : memref<4096x64xf32, #tpu.memory_space<vmem>>, vector<1x64xf32>
    tpu.vector_store %arg15[%swap3A_775, %swap3A_776], %slice3A_774 {strides = array<i32>} : memref<4096x64xf32, #tpu.memory_space<vmem>>, vector<1x64xf32>,
    %slice3A_778 = vector.extract_strided_slice %add3A_126 {offsets = [49, 0], sizes = [1, 256], strides = [1, 1]} : vector<64x256xf32> to vector<1x256xf32>
    %swap3A_779 = arith.index_cast %add3A_773 : i32 to index
    %swap3A_780 = arith.constant 0 : index
    %swap3A_781 = vector.load %arg16[%swap3A_779, %swap3A_780] : memref<4096x256xf32, #tpu.memory_space<vmem>>, vector<1x256xf32>
    tpu.vector_store %arg16[%swap3A_779, %swap3A_780], %slice3A_778 {strides = array<i32>} : memref<4096x256xf32, #tpu.memory_space<vmem>>, vector<1x256xf32>,
    %get3A_782 = arith.constant 50 : index
    %get3A_783 = arith.constant 0 : index
    %get3A_784 = memref.load %arg1[%get3A_782, %get3A_783] : memref<64x1xi32, #tpu.memory_space<smem>>
    %add3A_785 = arith.constant 3200 : i32
    %add3A_786 = arith.addi %add3A_785, %get3A_784 : i32
    %slice3A_787 = vector.extract_strided_slice %add3A_116 {offsets = [50, 0], sizes = [1, 64], strides = [1, 1]} : vector<64x64xf32> to vector<1x64xf32>
    %swap3A_788 = arith.index_cast %add3A_786 : i32 to index
    %swap3A_789 = arith.constant 0 : index
    %swap3A_790 = vector.load %arg15[%swap3A_788, %swap3A_789] : memref<4096x64xf32, #tpu.memory_space<vmem>>, vector<1x64xf32>
    tpu.vector_store %arg15[%swap3A_788, %swap3A_789], %slice3A_787 {strides = array<i32>} : memref<4096x64xf32, #tpu.memory_space<vmem>>, vector<1x64xf32>,
    %slice3A_791 = vector.extract_strided_slice %add3A_126 {offsets = [50, 0], sizes = [1, 256], strides = [1, 1]} : vector<64x256xf32> to vector<1x256xf32>
    %swap3A_792 = arith.index_cast %add3A_786 : i32 to index
    %swap3A_793 = arith.constant 0 : index
    %swap3A_794 = vector.load %arg16[%swap3A_792, %swap3A_793] : memref<4096x256xf32, #tpu.memory_space<vmem>>, vector<1x256xf32>
    tpu.vector_store %arg16[%swap3A_792, %swap3A_793], %slice3A_791 {strides = array<i32>} : memref<4096x256xf32, #tpu.memory_space<vmem>>, vector<1x256xf32>,
    %get3A_795 = arith.constant 51 : index
    %get3A_796 = arith.constant 0 : index
    %get3A_797 = memref.load %arg1[%get3A_795, %get3A_796] : memref<64x1xi32, #tpu.memory_space<smem>>
    %add3A_798 = arith.constant 3264 : i32
    %add3A_799 = arith.addi %add3A_798, %get3A_797 : i32
    %slice3A_800 = vector.extract_strided_slice %add3A_116 {offsets = [51, 0], sizes = [1, 64], strides = [1, 1]} : vector<64x64xf32> to vector<1x64xf32>
    %swap3A_801 = arith.index_cast %add3A_799 : i32 to index
    %swap3A_802 = arith.constant 0 : index
    %swap3A_803 = vector.load %arg15[%swap3A_801, %swap3A_802] : memref<4096x64xf32, #tpu.memory_space<vmem>>, vector<1x64xf32>
    tpu.vector_store %arg15[%swap3A_801, %swap3A_802], %slice3A_800 {strides = array<i32>} : memref<4096x64xf32, #tpu.memory_space<vmem>>, vector<1x64xf32>,
    %slice3A_804 = vector.extract_strided_slice %add3A_126 {offsets = [51, 0], sizes = [1, 256], strides = [1, 1]} : vector<64x256xf32> to vector<1x256xf32>
    %swap3A_805 = arith.index_cast %add3A_799 : i32 to index
    %swap3A_806 = arith.constant 0 : index
    %swap3A_807 = vector.load %arg16[%swap3A_805, %swap3A_806] : memref<4096x256xf32, #tpu.memory_space<vmem>>, vector<1x256xf32>
    tpu.vector_store %arg16[%swap3A_805, %swap3A_806], %slice3A_804 {strides = array<i32>} : memref<4096x256xf32, #tpu.memory_space<vmem>>, vector<1x256xf32>,
    %get3A_808 = arith.constant 52 : index
    %get3A_809 = arith.constant 0 : index
    %get3A_810 = memref.load %arg1[%get3A_808, %get3A_809] : memref<64x1xi32, #tpu.memory_space<smem>>
    %add3A_811 = arith.constant 3328 : i32
    %add3A_812 = arith.addi %add3A_811, %get3A_810 : i32
    %slice3A_813 = vector.extract_strided_slice %add3A_116 {offsets = [52, 0], sizes = [1, 64], strides = [1, 1]} : vector<64x64xf32> to vector<1x64xf32>
    %swap3A_814 = arith.index_cast %add3A_812 : i32 to index
    %swap3A_815 = arith.constant 0 : index
    %swap3A_816 = vector.load %arg15[%swap3A_814, %swap3A_815] : memref<4096x64xf32, #tpu.memory_space<vmem>>, vector<1x64xf32>
    tpu.vector_store %arg15[%swap3A_814, %swap3A_815], %slice3A_813 {strides = array<i32>} : memref<4096x64xf32, #tpu.memory_space<vmem>>, vector<1x64xf32>,
    %slice3A_817 = vector.extract_strided_slice %add3A_126 {offsets = [52, 0], sizes = [1, 256], strides = [1, 1]} : vector<64x256xf32> to vector<1x256xf32>
    %swap3A_818 = arith.index_cast %add3A_812 : i32 to index
    %swap3A_819 = arith.constant 0 : index
    %swap3A_820 = vector.load %arg16[%swap3A_818, %swap3A_819] : memref<4096x256xf32, #tpu.memory_space<vmem>>, vector<1x256xf32>
    tpu.vector_store %arg16[%swap3A_818, %swap3A_819], %slice3A_817 {strides = array<i32>} : memref<4096x256xf32, #tpu.memory_space<vmem>>, vector<1x256xf32>,
    %get3A_821 = arith.constant 53 : index
    %get3A_822 = arith.constant 0 : index
    %get3A_823 = memref.load %arg1[%get3A_821, %get3A_822] : memref<64x1xi32, #tpu.memory_space<smem>>
    %add3A_824 = arith.constant 3392 : i32
    %add3A_825 = arith.addi %add3A_824, %get3A_823 : i32
    %slice3A_826 = vector.extract_strided_slice %add3A_116 {offsets = [53, 0], sizes = [1, 64], strides = [1, 1]} : vector<64x64xf32> to vector<1x64xf32>
    %swap3A_827 = arith.index_cast %add3A_825 : i32 to index
    %swap3A_828 = arith.constant 0 : index
    %swap3A_829 = vector.load %arg15[%swap3A_827, %swap3A_828] : memref<4096x64xf32, #tpu.memory_space<vmem>>, vector<1x64xf32>
    tpu.vector_store %arg15[%swap3A_827, %swap3A_828], %slice3A_826 {strides = array<i32>} : memref<4096x64xf32, #tpu.memory_space<vmem>>, vector<1x64xf32>,
    %slice3A_830 = vector.extract_strided_slice %add3A_126 {offsets = [53, 0], sizes = [1, 256], strides = [1, 1]} : vector<64x256xf32> to vector<1x256xf32>
    %swap3A_831 = arith.index_cast %add3A_825 : i32 to index
    %swap3A_832 = arith.constant 0 : index
    %swap3A_833 = vector.load %arg16[%swap3A_831, %swap3A_832] : memref<4096x256xf32, #tpu.memory_space<vmem>>, vector<1x256xf32>
    tpu.vector_store %arg16[%swap3A_831, %swap3A_832], %slice3A_830 {strides = array<i32>} : memref<4096x256xf32, #tpu.memory_space<vmem>>, vector<1x256xf32>,
    %get3A_834 = arith.constant 54 : index
    %get3A_835 = arith.constant 0 : index
    %get3A_836 = memref.load %arg1[%get3A_834, %get3A_835] : memref<64x1xi32, #tpu.memory_space<smem>>
    %add3A_837 = arith.constant 3456 : i32
    %add3A_838 = arith.addi %add3A_837, %get3A_836 : i32
    %slice3A_839 = vector.extract_strided_slice %add3A_116 {offsets = [54, 0], sizes = [1, 64], strides = [1, 1]} : vector<64x64xf32> to vector<1x64xf32>
    %swap3A_840 = arith.index_cast %add3A_838 : i32 to index
    %swap3A_841 = arith.constant 0 : index
    %swap3A_842 = vector.load %arg15[%swap3A_840, %swap3A_841] : memref<4096x64xf32, #tpu.memory_space<vmem>>, vector<1x64xf32>
    tpu.vector_store %arg15[%swap3A_840, %swap3A_841], %slice3A_839 {strides = array<i32>} : memref<4096x64xf32, #tpu.memory_space<vmem>>, vector<1x64xf32>,
    %slice3A_843 = vector.extract_strided_slice %add3A_126 {offsets = [54, 0], sizes = [1, 256], strides = [1, 1]} : vector<64x256xf32> to vector<1x256xf32>
    %swap3A_844 = arith.index_cast %add3A_838 : i32 to index
    %swap3A_845 = arith.constant 0 : index
    %swap3A_846 = vector.load %arg16[%swap3A_844, %swap3A_845] : memref<4096x256xf32, #tpu.memory_space<vmem>>, vector<1x256xf32>
    tpu.vector_store %arg16[%swap3A_844, %swap3A_845], %slice3A_843 {strides = array<i32>} : memref<4096x256xf32, #tpu.memory_space<vmem>>, vector<1x256xf32>,
    %get3A_847 = arith.constant 55 : index
    %get3A_848 = arith.constant 0 : index
    %get3A_849 = memref.load %arg1[%get3A_847, %get3A_848] : memref<64x1xi32, #tpu.memory_space<smem>>
    %add3A_850 = arith.constant 3520 : i32
    %add3A_851 = arith.addi %add3A_850, %get3A_849 : i32
    %slice3A_852 = vector.extract_strided_slice %add3A_116 {offsets = [55, 0], sizes = [1, 64], strides = [1, 1]} : vector<64x64xf32> to vector<1x64xf32>
    %swap3A_853 = arith.index_cast %add3A_851 : i32 to index
    %swap3A_854 = arith.constant 0 : index
    %swap3A_855 = vector.load %arg15[%swap3A_853, %swap3A_854] : memref<4096x64xf32, #tpu.memory_space<vmem>>, vector<1x64xf32>
    tpu.vector_store %arg15[%swap3A_853, %swap3A_854], %slice3A_852 {strides = array<i32>} : memref<4096x64xf32, #tpu.memory_space<vmem>>, vector<1x64xf32>,
    %slice3A_856 = vector.extract_strided_slice %add3A_126 {offsets = [55, 0], sizes = [1, 256], strides = [1, 1]} : vector<64x256xf32> to vector<1x256xf32>
    %swap3A_857 = arith.index_cast %add3A_851 : i32 to index
    %swap3A_858 = arith.constant 0 : index
    %swap3A_859 = vector.load %arg16[%swap3A_857, %swap3A_858] : memref<4096x256xf32, #tpu.memory_space<vmem>>, vector<1x256xf32>
    tpu.vector_store %arg16[%swap3A_857, %swap3A_858], %slice3A_856 {strides = array<i32>} : memref<4096x256xf32, #tpu.memory_space<vmem>>, vector<1x256xf32>,
    %get3A_860 = arith.constant 56 : index
    %get3A_861 = arith.constant 0 : index
    %get3A_862 = memref.load %arg1[%get3A_860, %get3A_861] : memref<64x1xi32, #tpu.memory_space<smem>>
    %add3A_863 = arith.constant 3584 : i32
    %add3A_864 = arith.addi %add3A_863, %get3A_862 : i32
    %slice3A_865 = vector.extract_strided_slice %add3A_116 {offsets = [56, 0], sizes = [1, 64], strides = [1, 1]} : vector<64x64xf32> to vector<1x64xf32>
    %swap3A_866 = arith.index_cast %add3A_864 : i32 to index
    %swap3A_867 = arith.constant 0 : index
    %swap3A_868 = vector.load %arg15[%swap3A_866, %swap3A_867] : memref<4096x64xf32, #tpu.memory_space<vmem>>, vector<1x64xf32>
    tpu.vector_store %arg15[%swap3A_866, %swap3A_867], %slice3A_865 {strides = array<i32>} : memref<4096x64xf32, #tpu.memory_space<vmem>>, vector<1x64xf32>,
    %slice3A_869 = vector.extract_strided_slice %add3A_126 {offsets = [56, 0], sizes = [1, 256], strides = [1, 1]} : vector<64x256xf32> to vector<1x256xf32>
    %swap3A_870 = arith.index_cast %add3A_864 : i32 to index
    %swap3A_871 = arith.constant 0 : index
    %swap3A_872 = vector.load %arg16[%swap3A_870, %swap3A_871] : memref<4096x256xf32, #tpu.memory_space<vmem>>, vector<1x256xf32>
    tpu.vector_store %arg16[%swap3A_870, %swap3A_871], %slice3A_869 {strides = array<i32>} : memref<4096x256xf32, #tpu.memory_space<vmem>>, vector<1x256xf32>,
    %get3A_873 = arith.constant 57 : index
    %get3A_874 = arith.constant 0 : index
    %get3A_875 = memref.load %arg1[%get3A_873, %get3A_874] : memref<64x1xi32, #tpu.memory_space<smem>>
    %add3A_876 = arith.constant 3648 : i32
    %add3A_877 = arith.addi %add3A_876, %get3A_875 : i32
    %slice3A_878 = vector.extract_strided_slice %add3A_116 {offsets = [57, 0], sizes = [1, 64], strides = [1, 1]} : vector<64x64xf32> to vector<1x64xf32>
    %swap3A_879 = arith.index_cast %add3A_877 : i32 to index
    %swap3A_880 = arith.constant 0 : index
    %swap3A_881 = vector.load %arg15[%swap3A_879, %swap3A_880] : memref<4096x64xf32, #tpu.memory_space<vmem>>, vector<1x64xf32>
    tpu.vector_store %arg15[%swap3A_879, %swap3A_880], %slice3A_878 {strides = array<i32>} : memref<4096x64xf32, #tpu.memory_space<vmem>>, vector<1x64xf32>,
    %slice3A_882 = vector.extract_strided_slice %add3A_126 {offsets = [57, 0], sizes = [1, 256], strides = [1, 1]} : vector<64x256xf32> to vector<1x256xf32>
    %swap3A_883 = arith.index_cast %add3A_877 : i32 to index
    %swap3A_884 = arith.constant 0 : index
    %swap3A_885 = vector.load %arg16[%swap3A_883, %swap3A_884] : memref<4096x256xf32, #tpu.memory_space<vmem>>, vector<1x256xf32>
    tpu.vector_store %arg16[%swap3A_883, %swap3A_884], %slice3A_882 {strides = array<i32>} : memref<4096x256xf32, #tpu.memory_space<vmem>>, vector<1x256xf32>,
    %get3A_886 = arith.constant 58 : index
    %get3A_887 = arith.constant 0 : index
    %get3A_888 = memref.load %arg1[%get3A_886, %get3A_887] : memref<64x1xi32, #tpu.memory_space<smem>>
    %add3A_889 = arith.constant 3712 : i32
    %add3A_890 = arith.addi %add3A_889, %get3A_888 : i32
    %slice3A_891 = vector.extract_strided_slice %add3A_116 {offsets = [58, 0], sizes = [1, 64], strides = [1, 1]} : vector<64x64xf32> to vector<1x64xf32>
    %swap3A_892 = arith.index_cast %add3A_890 : i32 to index
    %swap3A_893 = arith.constant 0 : index
    %swap3A_894 = vector.load %arg15[%swap3A_892, %swap3A_893] : memref<4096x64xf32, #tpu.memory_space<vmem>>, vector<1x64xf32>
    tpu.vector_store %arg15[%swap3A_892, %swap3A_893], %slice3A_891 {strides = array<i32>} : memref<4096x64xf32, #tpu.memory_space<vmem>>, vector<1x64xf32>,
    %slice3A_895 = vector.extract_strided_slice %add3A_126 {offsets = [58, 0], sizes = [1, 256], strides = [1, 1]} : vector<64x256xf32> to vector<1x256xf32>
    %swap3A_896 = arith.index_cast %add3A_890 : i32 to index
    %swap3A_897 = arith.constant 0 : index
    %swap3A_898 = vector.load %arg16[%swap3A_896, %swap3A_897] : memref<4096x256xf32, #tpu.memory_space<vmem>>, vector<1x256xf32>
    tpu.vector_store %arg16[%swap3A_896, %swap3A_897], %slice3A_895 {strides = array<i32>} : memref<4096x256xf32, #tpu.memory_space<vmem>>, vector<1x256xf32>,
    %get3A_899 = arith.constant 59 : index
    %get3A_900 = arith.constant 0 : index
    %get3A_901 = memref.load %arg1[%get3A_899, %get3A_900] : memref<64x1xi32, #tpu.memory_space<smem>>
    %add3A_902 = arith.constant 3776 : i32
    %add3A_903 = arith.addi %add3A_902, %get3A_901 : i32
    %slice3A_904 = vector.extract_strided_slice %add3A_116 {offsets = [59, 0], sizes = [1, 64], strides = [1, 1]} : vector<64x64xf32> to vector<1x64xf32>
    %swap3A_905 = arith.index_cast %add3A_903 : i32 to index
    %swap3A_906 = arith.constant 0 : index
    %swap3A_907 = vector.load %arg15[%swap3A_905, %swap3A_906] : memref<4096x64xf32, #tpu.memory_space<vmem>>, vector<1x64xf32>
    tpu.vector_store %arg15[%swap3A_905, %swap3A_906], %slice3A_904 {strides = array<i32>} : memref<4096x64xf32, #tpu.memory_space<vmem>>, vector<1x64xf32>,
    %slice3A_908 = vector.extract_strided_slice %add3A_126 {offsets = [59, 0], sizes = [1, 256], strides = [1, 1]} : vector<64x256xf32> to vector<1x256xf32>
    %swap3A_909 = arith.index_cast %add3A_903 : i32 to index
    %swap3A_910 = arith.constant 0 : index
    %swap3A_911 = vector.load %arg16[%swap3A_909, %swap3A_910] : memref<4096x256xf32, #tpu.memory_space<vmem>>, vector<1x256xf32>
    tpu.vector_store %arg16[%swap3A_909, %swap3A_910], %slice3A_908 {strides = array<i32>} : memref<4096x256xf32, #tpu.memory_space<vmem>>, vector<1x256xf32>,
    %get3A_912 = arith.constant 60 : index
    %get3A_913 = arith.constant 0 : index
    %get3A_914 = memref.load %arg1[%get3A_912, %get3A_913] : memref<64x1xi32, #tpu.memory_space<smem>>
    %add3A_915 = arith.constant 3840 : i32
    %add3A_916 = arith.addi %add3A_915, %get3A_914 : i32
    %slice3A_917 = vector.extract_strided_slice %add3A_116 {offsets = [60, 0], sizes = [1, 64], strides = [1, 1]} : vector<64x64xf32> to vector<1x64xf32>
    %swap3A_918 = arith.index_cast %add3A_916 : i32 to index
    %swap3A_919 = arith.constant 0 : index
    %swap3A_920 = vector.load %arg15[%swap3A_918, %swap3A_919] : memref<4096x64xf32, #tpu.memory_space<vmem>>, vector<1x64xf32>
    tpu.vector_store %arg15[%swap3A_918, %swap3A_919], %slice3A_917 {strides = array<i32>} : memref<4096x64xf32, #tpu.memory_space<vmem>>, vector<1x64xf32>,
    %slice3A_921 = vector.extract_strided_slice %add3A_126 {offsets = [60, 0], sizes = [1, 256], strides = [1, 1]} : vector<64x256xf32> to vector<1x256xf32>
    %swap3A_922 = arith.index_cast %add3A_916 : i32 to index
    %swap3A_923 = arith.constant 0 : index
    %swap3A_924 = vector.load %arg16[%swap3A_922, %swap3A_923] : memref<4096x256xf32, #tpu.memory_space<vmem>>, vector<1x256xf32>
    tpu.vector_store %arg16[%swap3A_922, %swap3A_923], %slice3A_921 {strides = array<i32>} : memref<4096x256xf32, #tpu.memory_space<vmem>>, vector<1x256xf32>,
    %get3A_925 = arith.constant 61 : index
    %get3A_926 = arith.constant 0 : index
    %get3A_927 = memref.load %arg1[%get3A_925, %get3A_926] : memref<64x1xi32, #tpu.memory_space<smem>>
    %add3A_928 = arith.constant 3904 : i32
    %add3A_929 = arith.addi %add3A_928, %get3A_927 : i32
    %slice3A_930 = vector.extract_strided_slice %add3A_116 {offsets = [61, 0], sizes = [1, 64], strides = [1, 1]} : vector<64x64xf32> to vector<1x64xf32>
    %swap3A_931 = arith.index_cast %add3A_929 : i32 to index
    %swap3A_932 = arith.constant 0 : index
    %swap3A_933 = vector.load %arg15[%swap3A_931, %swap3A_932] : memref<4096x64xf32, #tpu.memory_space<vmem>>, vector<1x64xf32>
    tpu.vector_store %arg15[%swap3A_931, %swap3A_932], %slice3A_930 {strides = array<i32>} : memref<4096x64xf32, #tpu.memory_space<vmem>>, vector<1x64xf32>,
    %slice3A_934 = vector.extract_strided_slice %add3A_126 {offsets = [61, 0], sizes = [1, 256], strides = [1, 1]} : vector<64x256xf32> to vector<1x256xf32>
    %swap3A_935 = arith.index_cast %add3A_929 : i32 to index
    %swap3A_936 = arith.constant 0 : index
    %swap3A_937 = vector.load %arg16[%swap3A_935, %swap3A_936] : memref<4096x256xf32, #tpu.memory_space<vmem>>, vector<1x256xf32>
    tpu.vector_store %arg16[%swap3A_935, %swap3A_936], %slice3A_934 {strides = array<i32>} : memref<4096x256xf32, #tpu.memory_space<vmem>>, vector<1x256xf32>,
    %get3A_938 = arith.constant 62 : index
    %get3A_939 = arith.constant 0 : index
    %get3A_940 = memref.load %arg1[%get3A_938, %get3A_939] : memref<64x1xi32, #tpu.memory_space<smem>>
    %add3A_941 = arith.constant 3968 : i32
    %add3A_942 = arith.addi %add3A_941, %get3A_940 : i32
    %slice3A_943 = vector.extract_strided_slice %add3A_116 {offsets = [62, 0], sizes = [1, 64], strides = [1, 1]} : vector<64x64xf32> to vector<1x64xf32>
    %swap3A_944 = arith.index_cast %add3A_942 : i32 to index
    %swap3A_945 = arith.constant 0 : index
    %swap3A_946 = vector.load %arg15[%swap3A_944, %swap3A_945] : memref<4096x64xf32, #tpu.memory_space<vmem>>, vector<1x64xf32>
    tpu.vector_store %arg15[%swap3A_944, %swap3A_945], %slice3A_943 {strides = array<i32>} : memref<4096x64xf32, #tpu.memory_space<vmem>>, vector<1x64xf32>,
    %slice3A_947 = vector.extract_strided_slice %add3A_126 {offsets = [62, 0], sizes = [1, 256], strides = [1, 1]} : vector<64x256xf32> to vector<1x256xf32>
    %swap3A_948 = arith.index_cast %add3A_942 : i32 to index
    %swap3A_949 = arith.constant 0 : index
    %swap3A_950 = vector.load %arg16[%swap3A_948, %swap3A_949] : memref<4096x256xf32, #tpu.memory_space<vmem>>, vector<1x256xf32>
    tpu.vector_store %arg16[%swap3A_948, %swap3A_949], %slice3A_947 {strides = array<i32>} : memref<4096x256xf32, #tpu.memory_space<vmem>>, vector<1x256xf32>,
    %get3A_951 = arith.constant 63 : index
    %get3A_952 = arith.constant 0 : index
    %get3A_953 = memref.load %arg1[%get3A_951, %get3A_952] : memref<64x1xi32, #tpu.memory_space<smem>>
    %add3A_954 = arith.constant 4032 : i32
    %add3A_955 = arith.addi %add3A_954, %get3A_953 : i32
    %slice3A_956 = vector.extract_strided_slice %add3A_116 {offsets = [63, 0], sizes = [1, 64], strides = [1, 1]} : vector<64x64xf32> to vector<1x64xf32>
    %swap3A_957 = arith.index_cast %add3A_955 : i32 to index
    %swap3A_958 = arith.constant 0 : index
    %swap3A_959 = vector.load %arg15[%swap3A_957, %swap3A_958] : memref<4096x64xf32, #tpu.memory_space<vmem>>, vector<1x64xf32>
    tpu.vector_store %arg15[%swap3A_957, %swap3A_958], %slice3A_956 {strides = array<i32>} : memref<4096x64xf32, #tpu.memory_space<vmem>>, vector<1x64xf32>,
    %slice3A_960 = vector.extract_strided_slice %add3A_126 {offsets = [63, 0], sizes = [1, 256], strides = [1, 1]} : vector<64x256xf32> to vector<1x256xf32>
    %swap3A_961 = arith.index_cast %add3A_955 : i32 to index
    %swap3A_962 = arith.constant 0 : index
    %swap3A_963 = vector.load %arg16[%swap3A_961, %swap3A_962] : memref<4096x256xf32, #tpu.memory_space<vmem>>, vector<1x256xf32>
    tpu.vector_store %arg16[%swap3A_961, %swap3A_962], %slice3A_960 {strides = array<i32>} : memref<4096x256xf32, #tpu.memory_space<vmem>>, vector<1x256xf32>,
    %add3A_964 = arith.constant 1 : i32
    %add3A_965 = vector.broadcast %add3A_964 : i32 to vector<64x1xi32>
    %add3A_966 = arith.addi %get3A_10, %add3A_965 : vector<64x1xi32>
    %jit3A_967 = arith.constant 64 : i32
    %eq3A_968 = arith.constant 0 : i32
    %eq3A_969 = arith.cmpi eq, %jit3A_967, %eq3A_968 : i32
    %jit3A_970 = arith.constant 1 : i32
    %select_n3A_971 = arith.select %eq3A_969, %jit3A_970, %jit3A_967 : i32
    %rem3A_972 = vector.broadcast %select_n3A_971 : i32 to vector<64x1xi32>
    %rem3A_973 = arith.remsi %add3A_966, %rem3A_972 : vector<64x1xi32>
    %ne3A_974 = arith.constant 0 : i32
    %ne3A_975 = vector.broadcast %ne3A_974 : i32 to vector<64x1xi32>
    %ne3A_976 = arith.cmpi ne, %rem3A_973, %ne3A_975 : vector<64x1xi32>
    %lt3A = arith.constant 0 : i32
    %lt3A_977 = vector.broadcast %lt3A : i32 to vector<64x1xi32>
    %lt3A_978 = arith.cmpi slt, %rem3A_973, %lt3A_977 : vector<64x1xi32>
    %lt3A_979 = arith.constant 0 : i32
    %lt3A_980 = arith.cmpi slt, %select_n3A_971, %lt3A_979 : i32
    %ne3A_981 = vector.broadcast %lt3A_980 : i1 to vector<64x1xi1>
    %ne3A_982 = vector.broadcast %ne3A_981 : vector<64x1xi1> to vector<64x1xi1>
    %ne3A_983 = arith.xori %lt3A_978, %ne3A_982 : vector<64x1xi1>
    %and3A_984 = arith.andi %ne3A_983, %ne3A_976 : vector<64x1xi1>
    %add3A_985 = vector.broadcast %select_n3A_971 : i32 to vector<64x1xi32>
    %add3A_986 = arith.addi %rem3A_973, %add3A_985 : vector<64x1xi32>
    %select_n3A_987 = arith.select %and3A_984, %add3A_986, %rem3A_973 : vector<64x1xi1>, vector<64x1xi32>
    %swap3A_988 = arith.constant 0 : index
    %swap3A_989 = arith.constant 0 : index
    %swap3A_990 = vector.load %arg17[%swap3A_988, %swap3A_989] : memref<64x1xi32, #tpu.memory_space<vmem>>, vector<64x1xi32>
    tpu.vector_store %arg17[%swap3A_988, %swap3A_989], %select_n3A_987 {strides = array<i32>} : memref<64x1xi32, #tpu.memory_space<vmem>>, vector<64x1xi32>,
    return
  }
  func.func @transform_0(%arg0: i32) -> (i32, i32) {
    %c0_i32 = arith.constant 0 : i32
    %c0_i32_0 = arith.constant 0 : i32
    return %arg0, %c0_i32 : i32, i32
  }
  func.func @transform_1(%arg0: i32) -> (i32, i32) {
    %c0_i32 = arith.constant 0 : i32
    %c0_i32_0 = arith.constant 0 : i32
    return %arg0, %c0_i32 : i32, i32
  }
  func.func @transform_2(%arg0: i32) -> (i32, i32) {
    %c0_i32 = arith.constant 0 : i32
    %c0_i32_0 = arith.constant 0 : i32
    return %arg0, %c0_i32 : i32, i32
  }
  func.func @transform_3(%arg0: i32) -> (i32, i32) {
    %c0_i32 = arith.constant 0 : i32
    %c0_i32_0 = arith.constant 0 : i32
    return %arg0, %c0_i32 : i32, i32
  }
  func.func @transform_4(%arg0: i32) -> (i32, i32) {
    %c0_i32 = arith.constant 0 : i32
    %c0_i32_0 = arith.constant 0 : i32
    return %arg0, %c0_i32 : i32, i32
  }
  func.func @transform_5(%arg0: i32) -> (i32, i32) {
    %c0_i32 = arith.constant 0 : i32
    %c0_i32_0 = arith.constant 0 : i32
    %c0_i32_1 = arith.constant 0 : i32
    return %c0_i32, %c0_i32_0 : i32, i32
  }
  func.func @transform_6(%arg0: i32) -> (i32, i32) {
    %c0_i32 = arith.constant 0 : i32
    %c0_i32_0 = arith.constant 0 : i32
    %c0_i32_1 = arith.constant 0 : i32
    return %c0_i32, %c0_i32_0 : i32, i32
  }
  func.func @transform_7(%arg0: i32) -> (i32, i32) {
    %c0_i32 = arith.constant 0 : i32
    %c0_i32_0 = arith.constant 0 : i32
    %c0_i32_1 = arith.constant 0 : i32
    return %c0_i32, %c0_i32_0 : i32, i32
  }
  func.func @transform_8(%arg0: i32) -> (i32, i32) {
    %c0_i32 = arith.constant 0 : i32
    %c0_i32_0 = arith.constant 0 : i32
    %c0_i32_1 = arith.constant 0 : i32
    return %c0_i32, %c0_i32_0 : i32, i32
  }
  func.func @transform_9(%arg0: i32) -> (i32, i32) {
    %c0_i32 = arith.constant 0 : i32
    %c0_i32_0 = arith.constant 0 : i32
    %c0_i32_1 = arith.constant 0 : i32
    return %c0_i32, %c0_i32_0 : i32, i32
  }
  func.func @transform_10(%arg0: i32) -> (i32, i32) {
    %c0_i32 = arith.constant 0 : i32
    %c0_i32_0 = arith.constant 0 : i32
    %c0_i32_1 = arith.constant 0 : i32
    return %c0_i32, %c0_i32_0 : i32, i32
  }
  func.func @transform_11(%arg0: i32) -> (i32, i32) {
    %c0_i32 = arith.constant 0 : i32
    %c0_i32_0 = arith.constant 0 : i32
    %c0_i32_1 = arith.constant 0 : i32
    return %c0_i32, %c0_i32_0 : i32, i32
  }
  func.func @transform_12(%arg0: i32) -> (i32, i32) {
    %c0_i32 = arith.constant 0 : i32
    %c0_i32_0 = arith.constant 0 : i32
    %c0_i32_1 = arith.constant 0 : i32
    return %c0_i32, %c0_i32_0 : i32, i32
  }
  func.func @transform_13(%arg0: i32) -> (i32, i32) {
    %c0_i32 = arith.constant 0 : i32
    %c0_i32_0 = arith.constant 0 : i32
    return %arg0, %c0_i32 : i32, i32
  }
  func.func @transform_14(%arg0: i32) -> (i32, i32) {
    %c0_i32 = arith.constant 0 : i32
    %c0_i32_0 = arith.constant 0 : i32
    return %arg0, %c0_i32 : i32, i32
  }
  func.func @transform_15(%arg0: i32) -> (i32, i32) {
    %c0_i32 = arith.constant 0 : i32
    %c0_i32_0 = arith.constant 0 : i32
    return %arg0, %c0_i32 : i32, i32
  }
  func.func @transform_16(%arg0: i32) -> (i32, i32) {
    %c0_i32 = arith.constant 0 : i32
    %c0_i32_0 = arith.constant 0 : i32
    return %arg0, %c0_i32 : i32, i32
  }
}

</mosaic_0001>

<sc_bundles>
// kernel: sparse-core-data-format-call.cloned.1.call-start
scs
called_computation_lowered:
.L_overlay_start_0:
0x0: {  	s2 =	sld [smem:$0x3FD9]  }
0x1: {  	s3 =	sld [smem:$0x3FFE];
	_ =	sdelay $0x1  }
0x2: {  	s1 =	srdreg.scid  }
0x3: {  	s0 =	sand.u32 $0x1, s1  }
0x4: {  	s15 =	sshll.u32 s0, $0xA;
	s2 =	sadd.s32 s3, s2  }
0x5: {  	s2 =	sadd.s32 s2, s15  }
0x6: {  	[smem:$0x3FBC] =	sst s2  }
0x7: {  	_ = 	snop  }
0x8: {  	s2 =	sld [smem:$0x3FD0];
	_ =	sdelay $0x2  }
0x9: {  	s16 =	simm.s32 $0xA;
	s4 =	simm.s32 $0x10  }
0xa: {  	[smem:s4], [sflag:s16] =	dma.local [hbm:s2], $0x1  }
0xb: {  	_ =	swait.eq [sflag:s16], $0x1  }
0xc: {  	[sflag:s16] =	ssyncset.done $0x0  }
0xd: {  	[sflag:s16] =	ssyncadd.s32 $0xFFFFFFFF  }
0xe: {  	s17 =	sld [smem:$0x11];
	(tm) =	ssettm $0x1  }
0xf: {  	s18 =	sld [smem:$0x3FFB];
	_ =	sdelay $0x3  }
0x10: {  	_ =	strace s18  }
0x11: {  	s3 =	sld [smem:$0x3FFC];
	_ =	sdelay $0x3  }
0x12: {  	_ =	strace s3  }
0x13: {  	s3 =	sld [smem:$0x3FFD];
	_ =	sdelay $0x3  }
0x14: {  	_ =	strace s3  }
0x15: {  	_ =	strace $0x8FFFFFFF  }
0x16: {  	s19 =	sld [smem:$0x3FDB];
	_ =	sdelay $0x1  }
0x17: {  	s20 =	simm.s32 $_scs_section_size  }
0x18: {  	s5 =	simm.s32 $_size__tile_overlayer_lowered;
	s6 =	simm.s32 $_tile_overlayer_lowered  }
0x19: {  	s23 =	simm.s32 $0x1BFF;
	s22 =	sshll.u32 s6, $0x1;
	s3 =	sadd.s32 s20, s19  }
0x1a: {  	s7 =	simm.s32 $0x0;
	s21 =	sshll.u32 s5, $0x1;
	s5 =	sadd.s32 s22, s3  }
0x1b: {  	[timem:s7], [sflag:s23] =	dma.local [hbm:s5], s21  }
0x1c: {  	_ =	swait.ge [sflag:s23], s21  }
0x1d: {  	s4 =	ssub.s32 $0x0, s21;
	[sflag:s23] =	ssyncset.done $0x0  }
0x1e: {  	[sflag:s23] =	ssyncadd.s32 s4;
	_ =	sdelay $0x1  }
0x1f: {  	s24 =	simm.s32 $0x1B8B  }
0x20: {  	_ =	swait.ge [sflag:s24], $0x1  }
0x21: {  	[sflag:s24] =	ssyncset.done $0x0  }
0x22: {  	s26 =	simm.s32 $0x1B8E;
	s25 =	sld [smem:$0x3FFE];
	[sflag:s24] =	ssyncadd.s32 $0xFFFFFFFF  }
0x23: {  	s27 =	simm.s32 $execute0_lowered;
	[smem:$0x3FD2] =	sst s26  }
0x24: {  	s5 =	sshll.u32 s27, $0x1;
	_ =	strace $0x80000046;
	[dreg:$0x1] =	wrdreg $0xFFFFFFFF  }
0x25: {  	s28 =	simm.s32 $_size_execute0_lowered;
	s3 =	sadd.s32 s3, s5;
	[dreg:$0x0] =	wrdreg $0x0  }
0x26: {  	s5 =	sshll.u32 s28, $0x1;
	[dreg:$0x2] =	wrdreg s3  }
0x27: {  	[dreg:$0x3] =	wrdreg s5  }
0x28: {  	[dreg:$0x4] =	wrdreg $0xC0  }
0x29: {  	_ =	task [dreg:s7], $0x5FFFF  }
0x2a: {  	[dreg:$0x1] =	wrdreg $0xFFFFFFFF  }
0x2b: {  	[dreg:$0x0] =	wrdreg $0x60  }
0x2c: {  	[dreg:$0x2] =	wrdreg s25  }
0x2d: {  	[dreg:$0x3] =	wrdreg s17  }
0x2e: {  	[dreg:$0x4] =	wrdreg $0x9  }
0x2f: {  	_ =	task.clear_ibuf [dreg:s7], $0x5FFFF;
	_ =	strace $0x90000046  }
0x30: {  	s29 =	simm.s32 $0x9;
	_ =	strace $0x80000048  }
0x31: {  	_ =	swait.ge [sflag:s29], $0x1  }
0x32: {  	[sflag:s29] =	ssyncadd.s32 $0xFFFFFFFF  }
0x33: {  	_ =	strace $0x90000048  }
0x34: {  	_ =	sfence  }
0x35: {  	s30 =	sld [smem:$0x0];
	_ =	sdelay $0x2  }
0x36: {  	s31 =	sshll.u32 s1, $0xD;
	s1 =	sshrl.u32 s1, $0x2  }
0x37: {  	s3 =	sand.u32 $0x4000, s31;
	s1 =	sadd.s32 s1, s30  }
0x38: {  	s0 =	sor.u32 s3, s0;
	s1 =	sshll.u32 s1, $0x11  }
0x39: {  	s0 =	sor.u32 s1, s0  }
0x3a: {  	s0 =	sadd.s32 $0x8F2B, s0  }
0x3b: {  	[sflag:s0] =	ssyncadd.remote.s32 $0x1  }
0x3c: {  	_ =	sfence.sel $0xFFFF  }
0x3d: {  	[dreg:$0x0] =	wrdreg $0xFFFFFFFF;
	(pc) =	sbr.abs _section_cstart, $3  }
0x3e: {  	[dreg:$0x1] =	wrdreg $0xFFFFFFFF  }
0x3f: {  	_ =	task.clear_ibuf [dreg:s7], $0x2FFFF;
	_ =	strace $0x9FFFFFFF  }
0x40: {  	(tm) =	ssettm $0x7FFFFFFF  }
0x41: {  	_ =	shalt  }
tec
execute0_lowered:
.L_overlay_start_1:
0x0: {  	(tag) =	ssettag $0x1  }
0x1: {  	s0 =	srdreg.scid  }
0x2: {  	s1 =	sshll.u32 s0, $0x4  }
0x3: {  	s6 =	rddreg [dreg:$0x0];
	s0 =	stileid.u32;
	s1 =	sand.u32 $0x10, s1  }
0x4: {  	s3 =	rddreg [dreg:$0x1];
	s5 =	simm.s32 $0x1;
	s1 =	sor.u32 s0, s1  }
0x5: {  	s31 =	simm.s32 $0x2;
	s12 =	simm.s32 $0x0;
	s2 =	sshll.u32 s1, $0x7  }
0x6: {  	s8 =	simm.s32 $0x8000;
	s13 =	simm.s32 $0x0;
	s4 =	ssub.s32 $0x1000, s2  }
0x7: {  	s9 =	simm.s32 $0x0;
	s11 =	simm.s32 $0x0;
	s30 =	sand.u32 $0xF80, s4  }
.Ltmp0:
0x8: {  	s6 =	sadd.s32 $0x401600, s6;
	p0 =	sne.s32 s30, $0x0;
	(pc) =	sbr.rel .LBB1_1-.Ltmp0, $4  }
0x9: {  	s1 =	rddreg [dreg:$0x2];
	s7 =	sshrl.u32 s4, $0xC;
	s5 =	simm.s32 @!p0 $0x0  }
0xa: {  	_ =	strace $0x80000047;
	s4 =	simm.s32 $0x1;
	s5 =	sadd.s32 s5, s7  }
0xb: {  	s10 =	smov.u32 s2;
	[sflag:s4] =	ssyncpa.u1 $0x0;
	s5 =	sshll.u32 s5, $0x6  }
0xc: {  	[sflag:s31] =	ssyncpa.u1 $0x0;
	p0 =	por $0x0, $0x0;
	s7 =	sor.u32 $0x1, s5  }
.LBB1_4:
0xd: {  	s16 =	sshll.u32 s13, $0x3;
	s17 =	sand.u32 $0x78, s13  }
0xe: {  	s30 =	sand.u32 $0x7E00, s13;
	s12 =	sshll.u32 s12, $0xF;
	s16 =	sand.u32 $0xC00, s16  }
0xf: {  	[tilespmem:s15+$0x810 ss:$0x81] =	vst.msk $0xffff, v2;
	s31 =	sand.u32 $0x7, s13;
	s16 =	sor.u32 s17, s16;
	s17 =	sadd.s32 s3, s30  }
0x10: {  	[tilespmem:s15+$0x1020 ss:$0x81] =	vst.msk $0xffff, v0;
	s13 =	sshll.u32 s31, $0x12;
	s12 =	sadd.s32 s12, s17;
	s16 =	sshrl.u32 s16, $0x3  }
0x11: {  	[tilespmem:s15+$0x0 ss:$0x81] =	vst.msk $0xffff, v1;
	s13 =	sor.u32 $0x400, s13;
	s12 =	sadd.s32 s16, s12  }
0x12: {  	[hbm4b:s12+s13] =	stream.strided.scatter [tilespmem:s14], [sflag:$0x2], $0x2000, s8, s13, $0x20;
	[tilespmem:$0x8080] =	vst v63  }
.LBB1_5:
0x13: {  	s14 =	sadd.s32 $0x1, s9  }
0x14: {  	s12 =	sadd.s32 $0x1000, s10;
	s16 =	smov.u32 s10;
	p2 =	sgt.s32 s14, $0x3F  }
0x15: {  	s16 =	smov.u32 @p2 s12  }
0x16: {  	s14 =	simm.s32 @p2 $0x0;
	p2 =	sgt.s32 s16, $0xFFF  }
0x17: {  	s16 =	smov.u32 @p2 s2;
	p2 =	sne.s32 s11, s7  }
.Ltmp1:
0x18: {  	p1 =	slt.u32 s11, $0x2;
	(pc) =	sbr.rel @!p2 .LBB1_6-.Ltmp1, $4  }
0x19: {  	s15 =	simm.s32 @!p1 $0x2  }
0x1a: {  	s13 =	smov.u32 s10;
	p0 =	por !p0, !p0;
	_ =	swait.ge @!p1 [sflag:s15], $0x2000  }
0x1b: {  	s12 =	smov.u32 s9;
	[sflag:s15] =	ssyncset.done @!p1 $0x0;
	s9 =	smov.u32 s14  }
0x1c: {  	s11 =	sadd.s32 $0x1, s11;
	[sflag:s15] =	ssyncadd.s32 @!p1 $0xFFFFE000;
	s10 =	smov.u32 s16  }
.LBB1_1:
0x1d: {  	p1 =	sge.u32 s11, s5  }
0x1e: {  	s31 =	sadd.s32 $0xFFFFFFFF, s11;
	s14 =	sxor.u32 @!p1 $0xFFFFFFFF, s11  }
0x1f: {  	s15 =	sshll.u32 @!p1 s10, $0xA;
	s16 =	sshll.u32 @!p1 s9, $0x4;
	s17 =	simm.s32 @!p1 $0x2000  }
0x20: {  	s14 =	sshll.u32 @!p1 s14, $0xD;
	s16 =	sand.u32 @!p1 $0x3F0, s16;
	s15 =	sadd.s32 @!p1 s6, s15  }
0x21: {  	s14 =	sand.u32 @!p1 $0x2000, s14;
	s15 =	sadd.s32 @!p1 s16, s15;
	s16 =	simm.s32 @!p1 $0x40  }
0x22: {  	[tilespmem:s14], [sflag:$0x1] =	stream.strided.gather @!p1 [hbm4b:s15+s16], $0x2000, s17, s16, $0x38;
	[tilespmem:$0x8080] =	vst v63  }
0x23: {  	p1 =	sge.u32 s31, s5  }
.Ltmp2:
0x24: {  	_ = 	snop;
	(pc) =	sbr.rel @p1 .LBB1_5-.Ltmp2, $1  }
0x25: {  	_ =	sdelay $0x3  }
0x26: {  	s14 =	simm.s32 $0x1  }
0x27: {  	_ =	swait.ge [sflag:s4], $0x2000;
	s14 =	simm.s32 @!p0 $0x0  }
0x28: {  	[sflag:s4] =	ssyncset.done $0x0;
	s15 =	sshll.u32 s14, $0xD  }
0x29: {  	[sflag:s4] =	ssyncadd.s32 $0xFFFFE000;
	s18 =	sor.u32 $0x20, s15  }
0x2a: {  	s14 =	smul.u32 $0x8100, s14;
	v3 =	vld [tilespmem:s18+$0x10]  }
0x2b: {  	s30 =	sand.u32 $0x1, s11;
	v2 =	vld [tilespmem:s18+$0xFFFFFFF0]  }
0x2c: {  	s15 =	smul.u32 $0x8100, s30;
	s14 =	sshrl.u32 s14, $0x2;
	v0 =	vld [tilespmem:s18+$0x0]  }
0x2d: {  	v1 =	vld [tilespmem:s18+$0xFFFFFFE0];
	s16 =	sor.u32 $0x4000, s14  }
0x2e: {  	s31 =	sshrl.u32 s15, $0x2;
	s15 =	sadd.s32 $0x0, s16  }
0x2f: {  	s17 =	simm.s32 $0x4;
	s18 =	sadd.s32 $0x40, s18;
	s14 =	sor.u32 $0x4000, s31;
	[tilespmem:s15+$0x1830 ss:$0x81] =	vst.msk $0xffff, v3  }
.LBB1_3:
0x30: {  	v3 =	vld [tilespmem:s18+$0x10];
	p1 =	sne.s32 s17, $0x1FC;
	[tilespmem:s15+$0x810 ss:$0x81] =	vst.msk $0xffff, v2;
	s19 =	smov.u32 s17;
	s17 =	sadd.s32 $0x4, s17  }
.Ltmp3:
0x31: {  	v2 =	vld [tilespmem:s18+$0xFFFFFFF0];
	[tilespmem:s15+$0x1020 ss:$0x81] =	vst.msk $0xffff, v0;
	(pc) =	sbr.rel @p1 .LBB1_3-.Ltmp3, $4  }
0x32: {  	v0 =	vld [tilespmem:s18+$0x0];
	[tilespmem:s15+$0x0 ss:$0x81] =	vst.msk $0xffff, v1  }
0x33: {  	s15 =	sshra.s32 s19, $0x2;
	v1 =	vld [tilespmem:s18+$0xFFFFFFE0]  }
0x34: {  	s15 =	sadd.s32 s15, s16  }
0x35: {  	s18 =	sadd.s32 $0x40, s18;
	[tilespmem:s15+$0x1830 ss:$0x81] =	vst.msk $0xffff, v3  }
.Ltmp4:
0x36: {  	_ = 	snop;
	(pc) =	sbr.rel .LBB1_4-.Ltmp4, $1  }
0x37: {  	_ =	sdelay $0x3  }
.LBB1_6:
0x38: {  	_ =	sfence.sel $0x180000  }
0x39: {  	s2 =	simm.s32 $0x1;
	[bflag:$0x0] =	sbarrier.arrive $0xFFFF  }
0x3a: {  	s31 =	simm.s32 $0x2;
	[sflag:s2] =	ssyncpa.u1 $0x1  }
0x3b: {  	[sflag:s31] =	ssyncpa.u1 $0x1  }
0x3c: {  	p0 =	sne.s32 s0, $0x0;
	_ =	strace $0x90000047  }
0x3d: {  	s0 =	sadd.s32 @!p0 $0x100000, s1;
	[bflag:$0x2] =	sbarrier.arrive $0xFFFF  }
0x3e: {  	[sflag:s0] =	ssyncadd.tile.s32 @!p0 $0x1;
	_ =	shalt  }
.Lfunc_end1:
_tile_overlayer_lowered:
.L_overlay_start_2:
0x3f: {  	(tag) =	ssettag $0x2  }
0x40: {  	s0 =	rddreg [dreg:$0x0];
	s2 =	stileid.u32  }
0x41: {  	s1 =	rddreg [dreg:$0x1];
	p0 =	sne.s32 s2, $0x0  }
0x42: {  	s3 =	rddreg [dreg:$0x2];
	[bflag:$0x3] =	sbarrier.arrive $0xFFFF;
	s2 =	simm.s32 @!p0 $0x1C01  }
0x43: {  	[timem:s3], [sflag:s2] =	dma.local @!p0 [hbm:s0], s1  }
0x44: {  	s0 =	simm.s32 @!p0 $0x1  }
0x45: {  	_ =	swait.ge @!p0 [sflag:s0], s1  }
0x46: {  	s1 =	ssub.s32 @!p0 $0x0, s1;
	[sflag:s0] =	ssyncset.done @!p0 $0x0  }
0x47: {  	[sflag:s0] =	ssyncadd.s32 @!p0 s1  }
0x48: {  	[bflag:$0x3] =	sbarrier.arrive $0xFFFF  }
0x49: {  	_ =	shalt  }

</sc_bundles>
